<compile_context>
chip_gen: v7x
topology: tpu7x:2x2x1
jax: 0.10.2.dev20260603
libtpu: 0.0.44.dev20260713+nightly
codegen_flags: <defaults>
</compile_context>

<pallas_src>
import functools

import jax
import jax.numpy as jnp
from jax import lax
from jax.experimental import pallas as pl
from jax.experimental.pallas import tpu as pltpu
from jax.experimental.pallas import tpu_sc as plsc

_NW = 32
_PW = 3200
_RC = 80
_NQ = _PW // _RC
_D = 512
_L = 16


def _make_sc_kernel(n):
    mesh = plsc.VectorSubcoreMesh(core_axis_name="c", subcore_axis_name="s")

    @functools.partial(
        pl.kernel,
        mesh=mesh,
        compiler_params=pltpu.CompilerParams(needs_layout_passes=False),
        out_type=jax.ShapeDtypeStruct((n, 1, _D), jnp.float32),
        scratch_types=[
            pltpu.VMEM((_PW,), jnp.int32),
            pltpu.VMEM((_PW,), jnp.float32),
            pltpu.VMEM((128,), jnp.float32),
            pltpu.VMEM((_D,), jnp.float32),
            pltpu.VMEM((_PW,), jnp.float32),
            pltpu.VMEM((_RC, 1, _D), jnp.float32),
            pltpu.VMEM((_RC, 1, _D), jnp.float32),
            pltpu.SemaphoreType.DMA,
            pltpu.SemaphoreType.DMA,
        ],
    )
    def sc_k(z_hbm, nmm_hbm, gyro_hbm, w_hbm, out_hbm,
             z_v, nmm_v, t_v, w_v, s_v, buf0, buf1, sem0, sem1):
        wid = lax.axis_index("s") * 2 + lax.axis_index("c")
        base = wid * _PW
        pltpu.sync_copy(z_hbm.at[pl.ds(base, _PW)], z_v)
        pltpu.sync_copy(nmm_hbm.at[pl.ds(base, _PW)], nmm_v)
        pltpu.sync_copy(gyro_hbm, t_v)
        pltpu.sync_copy(w_hbm, w_v)

        @plsc.parallel_loop(0, _PW // _L)
        def s_body(i):
            sl = pl.ds(i * _L, _L)
            g = plsc.load_gather(t_v, [z_v[sl]])
            s_v[sl] = g * nmm_v[sl]

        wl = [w_v[pl.ds(l * _L, _L)] for l in range(_D // _L)]

        def chunk(q, buf, sem):
            row0 = base + q * _RC

            @pl.when(row0 < n)
            def _():
                @pl.when(q >= 2)
                def _():
                    pltpu.make_async_copy(
                        out_hbm.at[pl.ds(0, _RC)], buf, sem
                    ).wait()

                @plsc.parallel_loop(0, _RC, unroll=2)
                def row_body(j):
                    a = q * _RC + j
                    sj = plsc.load_gather(s_v, [jnp.full((_L,), 0, jnp.int32) + a])
                    for l in range(_D // _L):
                        buf[j, 0, pl.ds(l * _L, _L)] = sj * wl[l]
                pltpu.async_copy(buf, out_hbm.at[pl.ds(row0, _RC)], sem)

        def q_body(k, carry):
            chunk(k * 2, buf0, sem0)
            chunk(k * 2 + 1, buf1, sem1)
            return carry

        lax.fori_loop(0, _NQ // 2, q_body, 0)
        pltpu.make_async_copy(out_hbm.at[pl.ds(0, _RC)], buf0, sem0).wait()
        pltpu.make_async_copy(out_hbm.at[pl.ds(0, _RC)], buf1, sem1).wait()

    return sc_k


def kernel(Z, nuclear_magnetic_moments, gyro_table, W):
    n = Z.shape[0]
    npad = _NW * _PW
    z_p = jnp.zeros((npad,), jnp.int32).at[:n].set(Z.astype(jnp.int32))
    nmm_p = jnp.zeros((npad,), jnp.float32).at[:n].set(
        nuclear_magnetic_moments[:, 0]
    )
    gyro_pad = jnp.zeros((128,), jnp.float32).at[: gyro_table.shape[0]].set(
        gyro_table[:, 0]
    )
    w_flat = W[:, 0]
    return _make_sc_kernel(n)(z_p, nmm_p, gyro_pad, w_flat)

# --- scband reference (transcript-rebuilt; emitter-appended) ---
"""Pipeline reference for scband-nuclear-magnetic-moment-embedding-18794776887569 (READ-ONLY COPY).

The authoritative reference and input builder live on the scoring server;
editing this copy changes nothing except your own understanding.
"""

import jax, jax.numpy as jnp
import numpy as np

N = 100000
N_ATOM_BASIS = 512
MAX_Z = 100


def setup_inputs(seed: int = 0) -> dict:
    key = jax.random.key(seed)
    k1, k2, k3, k4 = jax.random.split(key, 4)
    Z = jax.random.randint(k1, (N,), 0, MAX_Z)
    nmm = jax.random.normal(k2, (N, 1), dtype=jnp.float32)
    # nn.Embedding(max_z, 1, padding_idx=0): row 0 is zeroed
    gyro_table = jax.random.normal(k3, (MAX_Z, 1), dtype=jnp.float32)
    gyro_table = gyro_table.at[0].set(0.0)
    # snn.Dense(1, n_atom_basis, bias=False): weight [n_atom_basis, 1]
    W = jax.random.normal(k4, (N_ATOM_BASIS, 1), dtype=jnp.float32) * (1.0 / np.sqrt(1.0))
    return {"Z": Z, "nuclear_magnetic_moments": nmm, "gyro_table": gyro_table, "W": W}


def reference(Z, nuclear_magnetic_moments, gyro_table, W):
    # gamma = self.gyromagnetic_ratio(Z).unsqueeze(-1)  -> [N, 1, 1]
    gamma = jnp.take(gyro_table, Z, axis=0)[..., None]
    # delta_nmm = self.vector_mapping(nmm.unsqueeze(-1)) : [N,1,1] @ [1,nb] -> [N, 1, n_atom_basis]
    delta_nmm = jnp.matmul(nuclear_magnetic_moments[..., None], W.T)
    # dmu = gamma * delta_nmm -> [N, 1, n_atom_basis]
    dmu = gamma * delta_nmm
    return dmu

if __name__ == "__main__":
    import jax
    _d = setup_inputs()
    print(jax.jit(kernel)(*tuple(_d.values())))

</pallas_src>

<mosaic_0001>
#map = affine_map<(d0, d1) -> (0)>
#map1 = affine_map<(d0, d1) -> (0, 0, 0)>
module attributes {stable_mosaic.version = 14 : i64} {
  func.func @sc_k(%arg0: i32, %arg1: i32, %arg2: memref<102400xi32, #tpu.memory_space<hbm>>, %arg3: memref<102400xf32, #tpu.memory_space<hbm>>, %arg4: memref<128xf32, #tpu.memory_space<hbm>>, %arg5: memref<512xf32, #tpu.memory_space<hbm>>, %arg6: memref<100000x1x512xf32, #tpu.memory_space<hbm>>, %arg7: memref<3200xi32, #tpu.memory_space<vmem>>, %arg8: memref<3200xf32, #tpu.memory_space<vmem>>, %arg9: memref<128xf32, #tpu.memory_space<vmem>>, %arg10: memref<512xf32, #tpu.memory_space<vmem>>, %arg11: memref<3200xf32, #tpu.memory_space<vmem>>, %arg12: memref<80x1x512xf32, #tpu.memory_space<vmem>>, %arg13: memref<80x1x512xf32, #tpu.memory_space<vmem>>, %arg14: memref<!tpu.dma_semaphore, #tpu.memory_space<semaphore_mem>>, %arg15: memref<!tpu.dma_semaphore, #tpu.memory_space<semaphore_mem>>) attributes {dimension_semantics = [#tpu.dimension_semantics<core_parallel>, #tpu.dimension_semantics<subcore_parallel>], iteration_bounds = array<i64: 2, 16>, scalar_prefetch = 0 : i64, scratch_operands = 9 : i64, tpu.core_type = #tpu.core_type<sc_vector_subcore>, window_params = [{transform_indices = #map}, {transform_indices = #map}, {transform_indices = #map}, {transform_indices = #map}, {transform_indices = #map1}]} {
    %mul3A = arith.constant 2 : i32
    %mul3A_0 = arith.muli %arg1, %mul3A : i32
    %add3A = arith.addi %mul3A_0, %arg0 : i32
    %mul3A_1 = arith.constant 3200 : i32
    %mul3A_2 = arith.muli %add3A, %mul3A_1 : i32
    "tpu.region"() ({
      %run_scoped3A = tpu.sem_alloc : memref<!tpu.dma_semaphore, #tpu.memory_space<semaphore_mem>>
      %dma_start3A = tpu.memref_slice %arg2[%mul3A_2] : memref<102400xi32, #tpu.memory_space<hbm>> -> memref<3200xi32, #tpu.memory_space<hbm>>
      %dma_start3A_88 = tpu.memref_slice %arg2[%mul3A_2] : memref<102400xi32, #tpu.memory_space<hbm>> -> memref<3200xi32, #tpu.memory_space<hbm>>
      tpu.enqueue_dma source(%dma_start3A_88 : memref<3200xi32, #tpu.memory_space<hbm>>) target(%arg7 : memref<3200xi32, #tpu.memory_space<vmem>>) target_semaphore(%run_scoped3A : memref<!tpu.dma_semaphore, #tpu.memory_space<semaphore_mem>>)
      %dma_wait3A_89 = tpu.memref_slice %arg2[%mul3A_2] : memref<102400xi32, #tpu.memory_space<hbm>> -> memref<3200xi32, #tpu.memory_space<hbm>>
      %dma_wait3A_90 = tpu.memref_slice %arg2[%mul3A_2] : memref<102400xi32, #tpu.memory_space<hbm>> -> memref<3200xi32, #tpu.memory_space<hbm>>
      tpu.wait_dma2 semaphore(%run_scoped3A : memref<!tpu.dma_semaphore, #tpu.memory_space<semaphore_mem>>) src(%dma_wait3A_90 : memref<3200xi32, #tpu.memory_space<hbm>>) dst(%arg7 : memref<3200xi32, #tpu.memory_space<vmem>>)
      tpu.yield
    }) : () -> ()
    "tpu.region"() ({
      %run_scoped3A = tpu.sem_alloc : memref<!tpu.dma_semaphore, #tpu.memory_space<semaphore_mem>>
      %dma_start3A = tpu.memref_slice %arg3[%mul3A_2] : memref<102400xf32, #tpu.memory_space<hbm>> -> memref<3200xf32, #tpu.memory_space<hbm>>
      %dma_start3A_88 = tpu.memref_slice %arg3[%mul3A_2] : memref<102400xf32, #tpu.memory_space<hbm>> -> memref<3200xf32, #tpu.memory_space<hbm>>
      tpu.enqueue_dma source(%dma_start3A_88 : memref<3200xf32, #tpu.memory_space<hbm>>) target(%arg8 : memref<3200xf32, #tpu.memory_space<vmem>>) target_semaphore(%run_scoped3A : memref<!tpu.dma_semaphore, #tpu.memory_space<semaphore_mem>>)
      %dma_wait3A_89 = tpu.memref_slice %arg3[%mul3A_2] : memref<102400xf32, #tpu.memory_space<hbm>> -> memref<3200xf32, #tpu.memory_space<hbm>>
      %dma_wait3A_90 = tpu.memref_slice %arg3[%mul3A_2] : memref<102400xf32, #tpu.memory_space<hbm>> -> memref<3200xf32, #tpu.memory_space<hbm>>
      tpu.wait_dma2 semaphore(%run_scoped3A : memref<!tpu.dma_semaphore, #tpu.memory_space<semaphore_mem>>) src(%dma_wait3A_90 : memref<3200xf32, #tpu.memory_space<hbm>>) dst(%arg8 : memref<3200xf32, #tpu.memory_space<vmem>>)
      tpu.yield
    }) : () -> ()
    "tpu.region"() ({
      %run_scoped3A = tpu.sem_alloc : memref<!tpu.dma_semaphore, #tpu.memory_space<semaphore_mem>>
      tpu.enqueue_dma source(%arg4 : memref<128xf32, #tpu.memory_space<hbm>>) target(%arg9 : memref<128xf32, #tpu.memory_space<vmem>>) target_semaphore(%run_scoped3A : memref<!tpu.dma_semaphore, #tpu.memory_space<semaphore_mem>>)
      tpu.wait_dma2 semaphore(%run_scoped3A : memref<!tpu.dma_semaphore, #tpu.memory_space<semaphore_mem>>) src(%arg4 : memref<128xf32, #tpu.memory_space<hbm>>) dst(%arg9 : memref<128xf32, #tpu.memory_space<vmem>>)
      tpu.yield
    }) : () -> ()
    "tpu.region"() ({
      %run_scoped3A = tpu.sem_alloc : memref<!tpu.dma_semaphore, #tpu.memory_space<semaphore_mem>>
      tpu.enqueue_dma source(%arg5 : memref<512xf32, #tpu.memory_space<hbm>>) target(%arg10 : memref<512xf32, #tpu.memory_space<vmem>>) target_semaphore(%run_scoped3A : memref<!tpu.dma_semaphore, #tpu.memory_space<semaphore_mem>>)
      tpu.wait_dma2 semaphore(%run_scoped3A : memref<!tpu.dma_semaphore, #tpu.memory_space<semaphore_mem>>) src(%arg5 : memref<512xf32, #tpu.memory_space<hbm>>) dst(%arg10 : memref<512xf32, #tpu.memory_space<vmem>>)
      tpu.yield
    }) : () -> ()
    %parallel_loop3A = arith.constant 0 : i32
    %parallel_loop3A_3 = arith.constant 200 : i32
    %parallel_loop3A_4 = arith.constant 1 : i32
    scf.for %parallel_loop3A_88 = %parallel_loop3A to %parallel_loop3A_3 step %parallel_loop3A_4  : i32 {
      %parallel_loop3A_89 = arith.constant 16 : i32
      %parallel_loop3A_90 = arith.muli %parallel_loop3A_88, %parallel_loop3A_89 : i32
      %parallel_loop3A_91 = arith.index_cast %parallel_loop3A_90 : i32 to index
      %parallel_loop3A_92 = tpu.vector_load %arg7[%parallel_loop3A_91] {strides = array<i32>} : memref<3200xi32, #tpu.memory_space<vmem>>, vector<16xi32>,
      %parallel_loop3A_93 = tpu.vector_load_idx %arg9[%parallel_loop3A_92] : memref<128xf32, #tpu.memory_space<vmem>>[vector<16xi32>], vector<16xf32>,
      %parallel_loop3A_94 = arith.index_cast %parallel_loop3A_90 : i32 to index
      %parallel_loop3A_95 = tpu.vector_load %arg8[%parallel_loop3A_94] {strides = array<i32>} : memref<3200xf32, #tpu.memory_space<vmem>>, vector<16xf32>,
      %parallel_loop3A_96 = arith.mulf %parallel_loop3A_93, %parallel_loop3A_95 : vector<16xf32>
      %parallel_loop3A_97 = arith.index_cast %parallel_loop3A_90 : i32 to index
      %parallel_loop3A_98 = tpu.vector_load %arg11[%parallel_loop3A_97] {strides = array<i32>} : memref<3200xf32, #tpu.memory_space<vmem>>, vector<16xf32>,
      tpu.vector_store %arg11[%parallel_loop3A_97], %parallel_loop3A_96 {strides = array<i32>} : memref<3200xf32, #tpu.memory_space<vmem>>, vector<16xf32>,
    } {sc.loop_unroll_factor = 1 : i64, sc.parallel_access}
    %get3A = arith.constant 0 : index
    %get3A_5 = tpu.vector_load %arg10[%get3A] {strides = array<i32>} : memref<512xf32, #tpu.memory_space<vmem>>, vector<16xf32>,
    %get3A_6 = arith.constant 16 : index
    %get3A_7 = tpu.vector_load %arg10[%get3A_6] {strides = array<i32>} : memref<512xf32, #tpu.memory_space<vmem>>, vector<16xf32>,
    %get3A_8 = arith.constant 32 : index
    %get3A_9 = tpu.vector_load %arg10[%get3A_8] {strides = array<i32>} : memref<512xf32, #tpu.memory_space<vmem>>, vector<16xf32>,
    %get3A_10 = arith.constant 48 : index
    %get3A_11 = tpu.vector_load %arg10[%get3A_10] {strides = array<i32>} : memref<512xf32, #tpu.memory_space<vmem>>, vector<16xf32>,
    %get3A_12 = arith.constant 64 : index
    %get3A_13 = tpu.vector_load %arg10[%get3A_12] {strides = array<i32>} : memref<512xf32, #tpu.memory_space<vmem>>, vector<16xf32>,
    %get3A_14 = arith.constant 80 : index
    %get3A_15 = tpu.vector_load %arg10[%get3A_14] {strides = array<i32>} : memref<512xf32, #tpu.memory_space<vmem>>, vector<16xf32>,
    %get3A_16 = arith.constant 96 : index
    %get3A_17 = tpu.vector_load %arg10[%get3A_16] {strides = array<i32>} : memref<512xf32, #tpu.memory_space<vmem>>, vector<16xf32>,
    %get3A_18 = arith.constant 112 : index
    %get3A_19 = tpu.vector_load %arg10[%get3A_18] {strides = array<i32>} : memref<512xf32, #tpu.memory_space<vmem>>, vector<16xf32>,
    %get3A_20 = arith.constant 128 : index
    %get3A_21 = tpu.vector_load %arg10[%get3A_20] {strides = array<i32>} : memref<512xf32, #tpu.memory_space<vmem>>, vector<16xf32>,
    %get3A_22 = arith.constant 144 : index
    %get3A_23 = tpu.vector_load %arg10[%get3A_22] {strides = array<i32>} : memref<512xf32, #tpu.memory_space<vmem>>, vector<16xf32>,
    %get3A_24 = arith.constant 160 : index
    %get3A_25 = tpu.vector_load %arg10[%get3A_24] {strides = array<i32>} : memref<512xf32, #tpu.memory_space<vmem>>, vector<16xf32>,
    %get3A_26 = arith.constant 176 : index
    %get3A_27 = tpu.vector_load %arg10[%get3A_26] {strides = array<i32>} : memref<512xf32, #tpu.memory_space<vmem>>, vector<16xf32>,
    %get3A_28 = arith.constant 192 : index
    %get3A_29 = tpu.vector_load %arg10[%get3A_28] {strides = array<i32>} : memref<512xf32, #tpu.memory_space<vmem>>, vector<16xf32>,
    %get3A_30 = arith.constant 208 : index
    %get3A_31 = tpu.vector_load %arg10[%get3A_30] {strides = array<i32>} : memref<512xf32, #tpu.memory_space<vmem>>, vector<16xf32>,
    %get3A_32 = arith.constant 224 : index
    %get3A_33 = tpu.vector_load %arg10[%get3A_32] {strides = array<i32>} : memref<512xf32, #tpu.memory_space<vmem>>, vector<16xf32>,
    %get3A_34 = arith.constant 240 : index
    %get3A_35 = tpu.vector_load %arg10[%get3A_34] {strides = array<i32>} : memref<512xf32, #tpu.memory_space<vmem>>, vector<16xf32>,
    %get3A_36 = arith.constant 256 : index
    %get3A_37 = tpu.vector_load %arg10[%get3A_36] {strides = array<i32>} : memref<512xf32, #tpu.memory_space<vmem>>, vector<16xf32>,
    %get3A_38 = arith.constant 272 : index
    %get3A_39 = tpu.vector_load %arg10[%get3A_38] {strides = array<i32>} : memref<512xf32, #tpu.memory_space<vmem>>, vector<16xf32>,
    %get3A_40 = arith.constant 288 : index
    %get3A_41 = tpu.vector_load %arg10[%get3A_40] {strides = array<i32>} : memref<512xf32, #tpu.memory_space<vmem>>, vector<16xf32>,
    %get3A_42 = arith.constant 304 : index
    %get3A_43 = tpu.vector_load %arg10[%get3A_42] {strides = array<i32>} : memref<512xf32, #tpu.memory_space<vmem>>, vector<16xf32>,
    %get3A_44 = arith.constant 320 : index
    %get3A_45 = tpu.vector_load %arg10[%get3A_44] {strides = array<i32>} : memref<512xf32, #tpu.memory_space<vmem>>, vector<16xf32>,
    %get3A_46 = arith.constant 336 : index
    %get3A_47 = tpu.vector_load %arg10[%get3A_46] {strides = array<i32>} : memref<512xf32, #tpu.memory_space<vmem>>, vector<16xf32>,
    %get3A_48 = arith.constant 352 : index
    %get3A_49 = tpu.vector_load %arg10[%get3A_48] {strides = array<i32>} : memref<512xf32, #tpu.memory_space<vmem>>, vector<16xf32>,
    %get3A_50 = arith.constant 368 : index
    %get3A_51 = tpu.vector_load %arg10[%get3A_50] {strides = array<i32>} : memref<512xf32, #tpu.memory_space<vmem>>, vector<16xf32>,
    %get3A_52 = arith.constant 384 : index
    %get3A_53 = tpu.vector_load %arg10[%get3A_52] {strides = array<i32>} : memref<512xf32, #tpu.memory_space<vmem>>, vector<16xf32>,
    %get3A_54 = arith.constant 400 : index
    %get3A_55 = tpu.vector_load %arg10[%get3A_54] {strides = array<i32>} : memref<512xf32, #tpu.memory_space<vmem>>, vector<16xf32>,
    %get3A_56 = arith.constant 416 : index
    %get3A_57 = tpu.vector_load %arg10[%get3A_56] {strides = array<i32>} : memref<512xf32, #tpu.memory_space<vmem>>, vector<16xf32>,
    %get3A_58 = arith.constant 432 : index
    %get3A_59 = tpu.vector_load %arg10[%get3A_58] {strides = array<i32>} : memref<512xf32, #tpu.memory_space<vmem>>, vector<16xf32>,
    %get3A_60 = arith.constant 448 : index
    %get3A_61 = tpu.vector_load %arg10[%get3A_60] {strides = array<i32>} : memref<512xf32, #tpu.memory_space<vmem>>, vector<16xf32>,
    %get3A_62 = arith.constant 464 : index
    %get3A_63 = tpu.vector_load %arg10[%get3A_62] {strides = array<i32>} : memref<512xf32, #tpu.memory_space<vmem>>, vector<16xf32>,
    %get3A_64 = arith.constant 480 : index
    %get3A_65 = tpu.vector_load %arg10[%get3A_64] {strides = array<i32>} : memref<512xf32, #tpu.memory_space<vmem>>, vector<16xf32>,
    %get3A_66 = arith.constant 496 : index
    %get3A_67 = tpu.vector_load %arg10[%get3A_66] {strides = array<i32>} : memref<512xf32, #tpu.memory_space<vmem>>, vector<16xf32>,
    %scan3A = arith.constant 0 : i32
    %scan3A_68 = arith.constant 0 : i32
    %scan3A_69 = arith.constant 20 : i32
    %scan3A_70 = arith.addi %scan3A_68, %scan3A_69 : i32
    %scan3A_71 = arith.constant 1 : i32
    scf.for %scan3A_88 = %scan3A_68 to %scan3A_70 step %scan3A_71  : i32 {
      %mul3A_89 = arith.constant 2 : i32
      %mul3A_90 = arith.muli %scan3A_88, %mul3A_89 : i32
      %mul3A_91 = arith.constant 80 : i32
      %mul3A_92 = arith.muli %mul3A_90, %mul3A_91 : i32
      %add3A_93 = arith.addi %mul3A_2, %mul3A_92 : i32
      %lt3A = arith.constant 100000 : i32
      %lt3A_94 = arith.cmpi slt, %add3A_93, %lt3A : i32
      %convert_element_type3A = arith.extui %lt3A_94 : i1 to i32
      %cond3A = arith.constant 0 : i32
      %cond3A_95 = arith.cmpi ne, %convert_element_type3A, %cond3A : i32
      scf.if %cond3A_95 {
        %ge3A = arith.constant 2 : i32
        %ge3A_108 = arith.cmpi sge, %mul3A_90, %ge3A : i32
        %convert_element_type3A_109 = arith.extui %ge3A_108 : i1 to i32
        %cond3A_110 = arith.constant 0 : i32
        %cond3A_111 = arith.cmpi ne, %convert_element_type3A_109, %cond3A_110 : i32
        scf.if %cond3A_111 {
          %dma_wait3A_120 = arith.constant 0 : i32
          %dma_wait3A_121 = arith.constant 0 : i32
          %dma_wait3A_122 = arith.constant 0 : i32
          %dma_wait3A_123 = tpu.memref_slice %arg6[%dma_wait3A_120, %dma_wait3A_121, %dma_wait3A_122] : memref<100000x1x512xf32, #tpu.memory_space<hbm>> -> memref<80x1x512xf32, #tpu.memory_space<hbm>>
          %dma_wait3A_124 = arith.constant 0 : i32
          %dma_wait3A_125 = arith.constant 0 : i32
          %dma_wait3A_126 = arith.constant 0 : i32
          %dma_wait3A_127 = tpu.memref_slice %arg6[%dma_wait3A_124, %dma_wait3A_125, %dma_wait3A_126] : memref<100000x1x512xf32, #tpu.memory_space<hbm>> -> memref<80x1x512xf32, #tpu.memory_space<hbm>>
          tpu.wait_dma2 semaphore(%arg14 : memref<!tpu.dma_semaphore, #tpu.memory_space<semaphore_mem>>) src(%dma_wait3A_127 : memref<80x1x512xf32, #tpu.memory_space<hbm>>) dst(%arg12 : memref<80x1x512xf32, #tpu.memory_space<vmem>>)
        } else {
        }
        %parallel_loop3A_112 = arith.constant 0 : i32
        %parallel_loop3A_113 = arith.constant 80 : i32
        %parallel_loop3A_114 = arith.constant 1 : i32
        scf.for %parallel_loop3A_120 = %parallel_loop3A_112 to %parallel_loop3A_113 step %parallel_loop3A_114  : i32 {
          %parallel_loop3A_121 = arith.constant 80 : i32
          %parallel_loop3A_122 = arith.muli %mul3A_90, %parallel_loop3A_121 : i32
          %parallel_loop3A_123 = arith.addi %parallel_loop3A_122, %parallel_loop3A_120 : i32
          %parallel_loop3A_124 = arith.constant 0 : i32
          %parallel_loop3A_125 = vector.broadcast %parallel_loop3A_124 : i32 to vector<16xi32>
          %parallel_loop3A_126 = vector.broadcast %parallel_loop3A_123 : i32 to vector<16xi32>
          %parallel_loop3A_127 = arith.addi %parallel_loop3A_125, %parallel_loop3A_126 : vector<16xi32>
          %parallel_loop3A_128 = tpu.vector_load_idx %arg11[%parallel_loop3A_127] : memref<3200xf32, #tpu.memory_space<vmem>>[vector<16xi32>], vector<16xf32>,
          %parallel_loop3A_129 = arith.mulf %parallel_loop3A_128, %get3A_5 : vector<16xf32>
          %parallel_loop3A_130 = arith.constant 0 : i32
          %parallel_loop3A_131 = arith.index_cast %parallel_loop3A_120 : i32 to index
          %parallel_loop3A_132 = arith.index_cast %parallel_loop3A_130 : i32 to index
          %parallel_loop3A_133 = arith.constant 0 : index
          %parallel_loop3A_134 = tpu.vector_load %arg12[%parallel_loop3A_131, %parallel_loop3A_132, %parallel_loop3A_133] {strides = array<i32>} : memref<80x1x512xf32, #tpu.memory_space<vmem>>, vector<16xf32>,
          tpu.vector_store %arg12[%parallel_loop3A_131, %parallel_loop3A_132, %parallel_loop3A_133], %parallel_loop3A_129 {strides = array<i32>} : memref<80x1x512xf32, #tpu.memory_space<vmem>>, vector<16xf32>,
          %parallel_loop3A_135 = arith.mulf %parallel_loop3A_128, %get3A_7 : vector<16xf32>
          %parallel_loop3A_136 = arith.constant 0 : i32
          %parallel_loop3A_137 = arith.index_cast %parallel_loop3A_120 : i32 to index
          %parallel_loop3A_138 = arith.index_cast %parallel_loop3A_136 : i32 to index
          %parallel_loop3A_139 = arith.constant 16 : index
          %parallel_loop3A_140 = tpu.vector_load %arg12[%parallel_loop3A_137, %parallel_loop3A_138, %parallel_loop3A_139] {strides = array<i32>} : memref<80x1x512xf32, #tpu.memory_space<vmem>>, vector<16xf32>,
          tpu.vector_store %arg12[%parallel_loop3A_137, %parallel_loop3A_138, %parallel_loop3A_139], %parallel_loop3A_135 {strides = array<i32>} : memref<80x1x512xf32, #tpu.memory_space<vmem>>, vector<16xf32>,
          %parallel_loop3A_141 = arith.mulf %parallel_loop3A_128, %get3A_9 : vector<16xf32>
          %parallel_loop3A_142 = arith.constant 0 : i32
          %parallel_loop3A_143 = arith.index_cast %parallel_loop3A_120 : i32 to index
          %parallel_loop3A_144 = arith.index_cast %parallel_loop3A_142 : i32 to index
          %parallel_loop3A_145 = arith.constant 32 : index
          %parallel_loop3A_146 = tpu.vector_load %arg12[%parallel_loop3A_143, %parallel_loop3A_144, %parallel_loop3A_145] {strides = array<i32>} : memref<80x1x512xf32, #tpu.memory_space<vmem>>, vector<16xf32>,
          tpu.vector_store %arg12[%parallel_loop3A_143, %parallel_loop3A_144, %parallel_loop3A_145], %parallel_loop3A_141 {strides = array<i32>} : memref<80x1x512xf32, #tpu.memory_space<vmem>>, vector<16xf32>,
          %parallel_loop3A_147 = arith.mulf %parallel_loop3A_128, %get3A_11 : vector<16xf32>
          %parallel_loop3A_148 = arith.constant 0 : i32
          %parallel_loop3A_149 = arith.index_cast %parallel_loop3A_120 : i32 to index
          %parallel_loop3A_150 = arith.index_cast %parallel_loop3A_148 : i32 to index
          %parallel_loop3A_151 = arith.constant 48 : index
          %parallel_loop3A_152 = tpu.vector_load %arg12[%parallel_loop3A_149, %parallel_loop3A_150, %parallel_loop3A_151] {strides = array<i32>} : memref<80x1x512xf32, #tpu.memory_space<vmem>>, vector<16xf32>,
          tpu.vector_store %arg12[%parallel_loop3A_149, %parallel_loop3A_150, %parallel_loop3A_151], %parallel_loop3A_147 {strides = array<i32>} : memref<80x1x512xf32, #tpu.memory_space<vmem>>, vector<16xf32>,
          %parallel_loop3A_153 = arith.mulf %parallel_loop3A_128, %get3A_13 : vector<16xf32>
          %parallel_loop3A_154 = arith.constant 0 : i32
          %parallel_loop3A_155 = arith.index_cast %parallel_loop3A_120 : i32 to index
          %parallel_loop3A_156 = arith.index_cast %parallel_loop3A_154 : i32 to index
          %parallel_loop3A_157 = arith.constant 64 : index
          %parallel_loop3A_158 = tpu.vector_load %arg12[%parallel_loop3A_155, %parallel_loop3A_156, %parallel_loop3A_157] {strides = array<i32>} : memref<80x1x512xf32, #tpu.memory_space<vmem>>, vector<16xf32>,
          tpu.vector_store %arg12[%parallel_loop3A_155, %parallel_loop3A_156, %parallel_loop3A_157], %parallel_loop3A_153 {strides = array<i32>} : memref<80x1x512xf32, #tpu.memory_space<vmem>>, vector<16xf32>,
          %parallel_loop3A_159 = arith.mulf %parallel_loop3A_128, %get3A_15 : vector<16xf32>
          %parallel_loop3A_160 = arith.constant 0 : i32
          %parallel_loop3A_161 = arith.index_cast %parallel_loop3A_120 : i32 to index
          %parallel_loop3A_162 = arith.index_cast %parallel_loop3A_160 : i32 to index
          %parallel_loop3A_163 = arith.constant 80 : index
          %parallel_loop3A_164 = tpu.vector_load %arg12[%parallel_loop3A_161, %parallel_loop3A_162, %parallel_loop3A_163] {strides = array<i32>} : memref<80x1x512xf32, #tpu.memory_space<vmem>>, vector<16xf32>,
          tpu.vector_store %arg12[%parallel_loop3A_161, %parallel_loop3A_162, %parallel_loop3A_163], %parallel_loop3A_159 {strides = array<i32>} : memref<80x1x512xf32, #tpu.memory_space<vmem>>, vector<16xf32>,
          %parallel_loop3A_165 = arith.mulf %parallel_loop3A_128, %get3A_17 : vector<16xf32>
          %parallel_loop3A_166 = arith.constant 0 : i32
          %parallel_loop3A_167 = arith.index_cast %parallel_loop3A_120 : i32 to index
          %parallel_loop3A_168 = arith.index_cast %parallel_loop3A_166 : i32 to index
          %parallel_loop3A_169 = arith.constant 96 : index
          %parallel_loop3A_170 = tpu.vector_load %arg12[%parallel_loop3A_167, %parallel_loop3A_168, %parallel_loop3A_169] {strides = array<i32>} : memref<80x1x512xf32, #tpu.memory_space<vmem>>, vector<16xf32>,
          tpu.vector_store %arg12[%parallel_loop3A_167, %parallel_loop3A_168, %parallel_loop3A_169], %parallel_loop3A_165 {strides = array<i32>} : memref<80x1x512xf32, #tpu.memory_space<vmem>>, vector<16xf32>,
          %parallel_loop3A_171 = arith.mulf %parallel_loop3A_128, %get3A_19 : vector<16xf32>
          %parallel_loop3A_172 = arith.constant 0 : i32
          %parallel_loop3A_173 = arith.index_cast %parallel_loop3A_120 : i32 to index
          %parallel_loop3A_174 = arith.index_cast %parallel_loop3A_172 : i32 to index
          %parallel_loop3A_175 = arith.constant 112 : index
          %parallel_loop3A_176 = tpu.vector_load %arg12[%parallel_loop3A_173, %parallel_loop3A_174, %parallel_loop3A_175] {strides = array<i32>} : memref<80x1x512xf32, #tpu.memory_space<vmem>>, vector<16xf32>,
          tpu.vector_store %arg12[%parallel_loop3A_173, %parallel_loop3A_174, %parallel_loop3A_175], %parallel_loop3A_171 {strides = array<i32>} : memref<80x1x512xf32, #tpu.memory_space<vmem>>, vector<16xf32>,
          %parallel_loop3A_177 = arith.mulf %parallel_loop3A_128, %get3A_21 : vector<16xf32>
          %parallel_loop3A_178 = arith.constant 0 : i32
          %parallel_loop3A_179 = arith.index_cast %parallel_loop3A_120 : i32 to index
          %parallel_loop3A_180 = arith.index_cast %parallel_loop3A_178 : i32 to index
          %parallel_loop3A_181 = arith.constant 128 : index
          %parallel_loop3A_182 = tpu.vector_load %arg12[%parallel_loop3A_179, %parallel_loop3A_180, %parallel_loop3A_181] {strides = array<i32>} : memref<80x1x512xf32, #tpu.memory_space<vmem>>, vector<16xf32>,
          tpu.vector_store %arg12[%parallel_loop3A_179, %parallel_loop3A_180, %parallel_loop3A_181], %parallel_loop3A_177 {strides = array<i32>} : memref<80x1x512xf32, #tpu.memory_space<vmem>>, vector<16xf32>,
          %parallel_loop3A_183 = arith.mulf %parallel_loop3A_128, %get3A_23 : vector<16xf32>
          %parallel_loop3A_184 = arith.constant 0 : i32
          %parallel_loop3A_185 = arith.index_cast %parallel_loop3A_120 : i32 to index
          %parallel_loop3A_186 = arith.index_cast %parallel_loop3A_184 : i32 to index
          %parallel_loop3A_187 = arith.constant 144 : index
          %parallel_loop3A_188 = tpu.vector_load %arg12[%parallel_loop3A_185, %parallel_loop3A_186, %parallel_loop3A_187] {strides = array<i32>} : memref<80x1x512xf32, #tpu.memory_space<vmem>>, vector<16xf32>,
          tpu.vector_store %arg12[%parallel_loop3A_185, %parallel_loop3A_186, %parallel_loop3A_187], %parallel_loop3A_183 {strides = array<i32>} : memref<80x1x512xf32, #tpu.memory_space<vmem>>, vector<16xf32>,
          %parallel_loop3A_189 = arith.mulf %parallel_loop3A_128, %get3A_25 : vector<16xf32>
          %parallel_loop3A_190 = arith.constant 0 : i32
          %parallel_loop3A_191 = arith.index_cast %parallel_loop3A_120 : i32 to index
          %parallel_loop3A_192 = arith.index_cast %parallel_loop3A_190 : i32 to index
          %parallel_loop3A_193 = arith.constant 160 : index
          %parallel_loop3A_194 = tpu.vector_load %arg12[%parallel_loop3A_191, %parallel_loop3A_192, %parallel_loop3A_193] {strides = array<i32>} : memref<80x1x512xf32, #tpu.memory_space<vmem>>, vector<16xf32>,
          tpu.vector_store %arg12[%parallel_loop3A_191, %parallel_loop3A_192, %parallel_loop3A_193], %parallel_loop3A_189 {strides = array<i32>} : memref<80x1x512xf32, #tpu.memory_space<vmem>>, vector<16xf32>,
          %parallel_loop3A_195 = arith.mulf %parallel_loop3A_128, %get3A_27 : vector<16xf32>
          %parallel_loop3A_196 = arith.constant 0 : i32
          %parallel_loop3A_197 = arith.index_cast %parallel_loop3A_120 : i32 to index
          %parallel_loop3A_198 = arith.index_cast %parallel_loop3A_196 : i32 to index
          %parallel_loop3A_199 = arith.constant 176 : index
          %parallel_loop3A_200 = tpu.vector_load %arg12[%parallel_loop3A_197, %parallel_loop3A_198, %parallel_loop3A_199] {strides = array<i32>} : memref<80x1x512xf32, #tpu.memory_space<vmem>>, vector<16xf32>,
          tpu.vector_store %arg12[%parallel_loop3A_197, %parallel_loop3A_198, %parallel_loop3A_199], %parallel_loop3A_195 {strides = array<i32>} : memref<80x1x512xf32, #tpu.memory_space<vmem>>, vector<16xf32>,
          %parallel_loop3A_201 = arith.mulf %parallel_loop3A_128, %get3A_29 : vector<16xf32>
          %parallel_loop3A_202 = arith.constant 0 : i32
          %parallel_loop3A_203 = arith.index_cast %parallel_loop3A_120 : i32 to index
          %parallel_loop3A_204 = arith.index_cast %parallel_loop3A_202 : i32 to index
          %parallel_loop3A_205 = arith.constant 192 : index
          %parallel_loop3A_206 = tpu.vector_load %arg12[%parallel_loop3A_203, %parallel_loop3A_204, %parallel_loop3A_205] {strides = array<i32>} : memref<80x1x512xf32, #tpu.memory_space<vmem>>, vector<16xf32>,
          tpu.vector_store %arg12[%parallel_loop3A_203, %parallel_loop3A_204, %parallel_loop3A_205], %parallel_loop3A_201 {strides = array<i32>} : memref<80x1x512xf32, #tpu.memory_space<vmem>>, vector<16xf32>,
          %parallel_loop3A_207 = arith.mulf %parallel_loop3A_128, %get3A_31 : vector<16xf32>
          %parallel_loop3A_208 = arith.constant 0 : i32
          %parallel_loop3A_209 = arith.index_cast %parallel_loop3A_120 : i32 to index
          %parallel_loop3A_210 = arith.index_cast %parallel_loop3A_208 : i32 to index
          %parallel_loop3A_211 = arith.constant 208 : index
          %parallel_loop3A_212 = tpu.vector_load %arg12[%parallel_loop3A_209, %parallel_loop3A_210, %parallel_loop3A_211] {strides = array<i32>} : memref<80x1x512xf32, #tpu.memory_space<vmem>>, vector<16xf32>,
          tpu.vector_store %arg12[%parallel_loop3A_209, %parallel_loop3A_210, %parallel_loop3A_211], %parallel_loop3A_207 {strides = array<i32>} : memref<80x1x512xf32, #tpu.memory_space<vmem>>, vector<16xf32>,
          %parallel_loop3A_213 = arith.mulf %parallel_loop3A_128, %get3A_33 : vector<16xf32>
          %parallel_loop3A_214 = arith.constant 0 : i32
          %parallel_loop3A_215 = arith.index_cast %parallel_loop3A_120 : i32 to index
          %parallel_loop3A_216 = arith.index_cast %parallel_loop3A_214 : i32 to index
          %parallel_loop3A_217 = arith.constant 224 : index
          %parallel_loop3A_218 = tpu.vector_load %arg12[%parallel_loop3A_215, %parallel_loop3A_216, %parallel_loop3A_217] {strides = array<i32>} : memref<80x1x512xf32, #tpu.memory_space<vmem>>, vector<16xf32>,
          tpu.vector_store %arg12[%parallel_loop3A_215, %parallel_loop3A_216, %parallel_loop3A_217], %parallel_loop3A_213 {strides = array<i32>} : memref<80x1x512xf32, #tpu.memory_space<vmem>>, vector<16xf32>,
          %parallel_loop3A_219 = arith.mulf %parallel_loop3A_128, %get3A_35 : vector<16xf32>
          %parallel_loop3A_220 = arith.constant 0 : i32
          %parallel_loop3A_221 = arith.index_cast %parallel_loop3A_120 : i32 to index
          %parallel_loop3A_222 = arith.index_cast %parallel_loop3A_220 : i32 to index
          %parallel_loop3A_223 = arith.constant 240 : index
          %parallel_loop3A_224 = tpu.vector_load %arg12[%parallel_loop3A_221, %parallel_loop3A_222, %parallel_loop3A_223] {strides = array<i32>} : memref<80x1x512xf32, #tpu.memory_space<vmem>>, vector<16xf32>,
          tpu.vector_store %arg12[%parallel_loop3A_221, %parallel_loop3A_222, %parallel_loop3A_223], %parallel_loop3A_219 {strides = array<i32>} : memref<80x1x512xf32, #tpu.memory_space<vmem>>, vector<16xf32>,
          %parallel_loop3A_225 = arith.mulf %parallel_loop3A_128, %get3A_37 : vector<16xf32>
          %parallel_loop3A_226 = arith.constant 0 : i32
          %parallel_loop3A_227 = arith.index_cast %parallel_loop3A_120 : i32 to index
          %parallel_loop3A_228 = arith.index_cast %parallel_loop3A_226 : i32 to index
          %parallel_loop3A_229 = arith.constant 256 : index
          %parallel_loop3A_230 = tpu.vector_load %arg12[%parallel_loop3A_227, %parallel_loop3A_228, %parallel_loop3A_229] {strides = array<i32>} : memref<80x1x512xf32, #tpu.memory_space<vmem>>, vector<16xf32>,
          tpu.vector_store %arg12[%parallel_loop3A_227, %parallel_loop3A_228, %parallel_loop3A_229], %parallel_loop3A_225 {strides = array<i32>} : memref<80x1x512xf32, #tpu.memory_space<vmem>>, vector<16xf32>,
          %parallel_loop3A_231 = arith.mulf %parallel_loop3A_128, %get3A_39 : vector<16xf32>
          %parallel_loop3A_232 = arith.constant 0 : i32
          %parallel_loop3A_233 = arith.index_cast %parallel_loop3A_120 : i32 to index
          %parallel_loop3A_234 = arith.index_cast %parallel_loop3A_232 : i32 to index
          %parallel_loop3A_235 = arith.constant 272 : index
          %parallel_loop3A_236 = tpu.vector_load %arg12[%parallel_loop3A_233, %parallel_loop3A_234, %parallel_loop3A_235] {strides = array<i32>} : memref<80x1x512xf32, #tpu.memory_space<vmem>>, vector<16xf32>,
          tpu.vector_store %arg12[%parallel_loop3A_233, %parallel_loop3A_234, %parallel_loop3A_235], %parallel_loop3A_231 {strides = array<i32>} : memref<80x1x512xf32, #tpu.memory_space<vmem>>, vector<16xf32>,
          %parallel_loop3A_237 = arith.mulf %parallel_loop3A_128, %get3A_41 : vector<16xf32>
          %parallel_loop3A_238 = arith.constant 0 : i32
          %parallel_loop3A_239 = arith.index_cast %parallel_loop3A_120 : i32 to index
          %parallel_loop3A_240 = arith.index_cast %parallel_loop3A_238 : i32 to index
          %parallel_loop3A_241 = arith.constant 288 : index
          %parallel_loop3A_242 = tpu.vector_load %arg12[%parallel_loop3A_239, %parallel_loop3A_240, %parallel_loop3A_241] {strides = array<i32>} : memref<80x1x512xf32, #tpu.memory_space<vmem>>, vector<16xf32>,
          tpu.vector_store %arg12[%parallel_loop3A_239, %parallel_loop3A_240, %parallel_loop3A_241], %parallel_loop3A_237 {strides = array<i32>} : memref<80x1x512xf32, #tpu.memory_space<vmem>>, vector<16xf32>,
          %parallel_loop3A_243 = arith.mulf %parallel_loop3A_128, %get3A_43 : vector<16xf32>
          %parallel_loop3A_244 = arith.constant 0 : i32
          %parallel_loop3A_245 = arith.index_cast %parallel_loop3A_120 : i32 to index
          %parallel_loop3A_246 = arith.index_cast %parallel_loop3A_244 : i32 to index
          %parallel_loop3A_247 = arith.constant 304 : index
          %parallel_loop3A_248 = tpu.vector_load %arg12[%parallel_loop3A_245, %parallel_loop3A_246, %parallel_loop3A_247] {strides = array<i32>} : memref<80x1x512xf32, #tpu.memory_space<vmem>>, vector<16xf32>,
          tpu.vector_store %arg12[%parallel_loop3A_245, %parallel_loop3A_246, %parallel_loop3A_247], %parallel_loop3A_243 {strides = array<i32>} : memref<80x1x512xf32, #tpu.memory_space<vmem>>, vector<16xf32>,
          %parallel_loop3A_249 = arith.mulf %parallel_loop3A_128, %get3A_45 : vector<16xf32>
          %parallel_loop3A_250 = arith.constant 0 : i32
          %parallel_loop3A_251 = arith.index_cast %parallel_loop3A_120 : i32 to index
          %parallel_loop3A_252 = arith.index_cast %parallel_loop3A_250 : i32 to index
          %parallel_loop3A_253 = arith.constant 320 : index
          %parallel_loop3A_254 = tpu.vector_load %arg12[%parallel_loop3A_251, %parallel_loop3A_252, %parallel_loop3A_253] {strides = array<i32>} : memref<80x1x512xf32, #tpu.memory_space<vmem>>, vector<16xf32>,
          tpu.vector_store %arg12[%parallel_loop3A_251, %parallel_loop3A_252, %parallel_loop3A_253], %parallel_loop3A_249 {strides = array<i32>} : memref<80x1x512xf32, #tpu.memory_space<vmem>>, vector<16xf32>,
          %parallel_loop3A_255 = arith.mulf %parallel_loop3A_128, %get3A_47 : vector<16xf32>
          %parallel_loop3A_256 = arith.constant 0 : i32
          %parallel_loop3A_257 = arith.index_cast %parallel_loop3A_120 : i32 to index
          %parallel_loop3A_258 = arith.index_cast %parallel_loop3A_256 : i32 to index
          %parallel_loop3A_259 = arith.constant 336 : index
          %parallel_loop3A_260 = tpu.vector_load %arg12[%parallel_loop3A_257, %parallel_loop3A_258, %parallel_loop3A_259] {strides = array<i32>} : memref<80x1x512xf32, #tpu.memory_space<vmem>>, vector<16xf32>,
          tpu.vector_store %arg12[%parallel_loop3A_257, %parallel_loop3A_258, %parallel_loop3A_259], %parallel_loop3A_255 {strides = array<i32>} : memref<80x1x512xf32, #tpu.memory_space<vmem>>, vector<16xf32>,
          %parallel_loop3A_261 = arith.mulf %parallel_loop3A_128, %get3A_49 : vector<16xf32>
          %parallel_loop3A_262 = arith.constant 0 : i32
          %parallel_loop3A_263 = arith.index_cast %parallel_loop3A_120 : i32 to index
          %parallel_loop3A_264 = arith.index_cast %parallel_loop3A_262 : i32 to index
          %parallel_loop3A_265 = arith.constant 352 : index
          %parallel_loop3A_266 = tpu.vector_load %arg12[%parallel_loop3A_263, %parallel_loop3A_264, %parallel_loop3A_265] {strides = array<i32>} : memref<80x1x512xf32, #tpu.memory_space<vmem>>, vector<16xf32>,
          tpu.vector_store %arg12[%parallel_loop3A_263, %parallel_loop3A_264, %parallel_loop3A_265], %parallel_loop3A_261 {strides = array<i32>} : memref<80x1x512xf32, #tpu.memory_space<vmem>>, vector<16xf32>,
          %parallel_loop3A_267 = arith.mulf %parallel_loop3A_128, %get3A_51 : vector<16xf32>
          %parallel_loop3A_268 = arith.constant 0 : i32
          %parallel_loop3A_269 = arith.index_cast %parallel_loop3A_120 : i32 to index
          %parallel_loop3A_270 = arith.index_cast %parallel_loop3A_268 : i32 to index
          %parallel_loop3A_271 = arith.constant 368 : index
          %parallel_loop3A_272 = tpu.vector_load %arg12[%parallel_loop3A_269, %parallel_loop3A_270, %parallel_loop3A_271] {strides = array<i32>} : memref<80x1x512xf32, #tpu.memory_space<vmem>>, vector<16xf32>,
          tpu.vector_store %arg12[%parallel_loop3A_269, %parallel_loop3A_270, %parallel_loop3A_271], %parallel_loop3A_267 {strides = array<i32>} : memref<80x1x512xf32, #tpu.memory_space<vmem>>, vector<16xf32>,
          %parallel_loop3A_273 = arith.mulf %parallel_loop3A_128, %get3A_53 : vector<16xf32>
          %parallel_loop3A_274 = arith.constant 0 : i32
          %parallel_loop3A_275 = arith.index_cast %parallel_loop3A_120 : i32 to index
          %parallel_loop3A_276 = arith.index_cast %parallel_loop3A_274 : i32 to index
          %parallel_loop3A_277 = arith.constant 384 : index
          %parallel_loop3A_278 = tpu.vector_load %arg12[%parallel_loop3A_275, %parallel_loop3A_276, %parallel_loop3A_277] {strides = array<i32>} : memref<80x1x512xf32, #tpu.memory_space<vmem>>, vector<16xf32>,
          tpu.vector_store %arg12[%parallel_loop3A_275, %parallel_loop3A_276, %parallel_loop3A_277], %parallel_loop3A_273 {strides = array<i32>} : memref<80x1x512xf32, #tpu.memory_space<vmem>>, vector<16xf32>,
          %parallel_loop3A_279 = arith.mulf %parallel_loop3A_128, %get3A_55 : vector<16xf32>
          %parallel_loop3A_280 = arith.constant 0 : i32
          %parallel_loop3A_281 = arith.index_cast %parallel_loop3A_120 : i32 to index
          %parallel_loop3A_282 = arith.index_cast %parallel_loop3A_280 : i32 to index
          %parallel_loop3A_283 = arith.constant 400 : index
          %parallel_loop3A_284 = tpu.vector_load %arg12[%parallel_loop3A_281, %parallel_loop3A_282, %parallel_loop3A_283] {strides = array<i32>} : memref<80x1x512xf32, #tpu.memory_space<vmem>>, vector<16xf32>,
          tpu.vector_store %arg12[%parallel_loop3A_281, %parallel_loop3A_282, %parallel_loop3A_283], %parallel_loop3A_279 {strides = array<i32>} : memref<80x1x512xf32, #tpu.memory_space<vmem>>, vector<16xf32>,
          %parallel_loop3A_285 = arith.mulf %parallel_loop3A_128, %get3A_57 : vector<16xf32>
          %parallel_loop3A_286 = arith.constant 0 : i32
          %parallel_loop3A_287 = arith.index_cast %parallel_loop3A_120 : i32 to index
          %parallel_loop3A_288 = arith.index_cast %parallel_loop3A_286 : i32 to index
          %parallel_loop3A_289 = arith.constant 416 : index
          %parallel_loop3A_290 = tpu.vector_load %arg12[%parallel_loop3A_287, %parallel_loop3A_288, %parallel_loop3A_289] {strides = array<i32>} : memref<80x1x512xf32, #tpu.memory_space<vmem>>, vector<16xf32>,
          tpu.vector_store %arg12[%parallel_loop3A_287, %parallel_loop3A_288, %parallel_loop3A_289], %parallel_loop3A_285 {strides = array<i32>} : memref<80x1x512xf32, #tpu.memory_space<vmem>>, vector<16xf32>,
          %parallel_loop3A_291 = arith.mulf %parallel_loop3A_128, %get3A_59 : vector<16xf32>
          %parallel_loop3A_292 = arith.constant 0 : i32
          %parallel_loop3A_293 = arith.index_cast %parallel_loop3A_120 : i32 to index
          %parallel_loop3A_294 = arith.index_cast %parallel_loop3A_292 : i32 to index
          %parallel_loop3A_295 = arith.constant 432 : index
          %parallel_loop3A_296 = tpu.vector_load %arg12[%parallel_loop3A_293, %parallel_loop3A_294, %parallel_loop3A_295] {strides = array<i32>} : memref<80x1x512xf32, #tpu.memory_space<vmem>>, vector<16xf32>,
          tpu.vector_store %arg12[%parallel_loop3A_293, %parallel_loop3A_294, %parallel_loop3A_295], %parallel_loop3A_291 {strides = array<i32>} : memref<80x1x512xf32, #tpu.memory_space<vmem>>, vector<16xf32>,
          %parallel_loop3A_297 = arith.mulf %parallel_loop3A_128, %get3A_61 : vector<16xf32>
          %parallel_loop3A_298 = arith.constant 0 : i32
          %parallel_loop3A_299 = arith.index_cast %parallel_loop3A_120 : i32 to index
          %parallel_loop3A_300 = arith.index_cast %parallel_loop3A_298 : i32 to index
          %parallel_loop3A_301 = arith.constant 448 : index
          %parallel_loop3A_302 = tpu.vector_load %arg12[%parallel_loop3A_299, %parallel_loop3A_300, %parallel_loop3A_301] {strides = array<i32>} : memref<80x1x512xf32, #tpu.memory_space<vmem>>, vector<16xf32>,
          tpu.vector_store %arg12[%parallel_loop3A_299, %parallel_loop3A_300, %parallel_loop3A_301], %parallel_loop3A_297 {strides = array<i32>} : memref<80x1x512xf32, #tpu.memory_space<vmem>>, vector<16xf32>,
          %parallel_loop3A_303 = arith.mulf %parallel_loop3A_128, %get3A_63 : vector<16xf32>
          %parallel_loop3A_304 = arith.constant 0 : i32
          %parallel_loop3A_305 = arith.index_cast %parallel_loop3A_120 : i32 to index
          %parallel_loop3A_306 = arith.index_cast %parallel_loop3A_304 : i32 to index
          %parallel_loop3A_307 = arith.constant 464 : index
          %parallel_loop3A_308 = tpu.vector_load %arg12[%parallel_loop3A_305, %parallel_loop3A_306, %parallel_loop3A_307] {strides = array<i32>} : memref<80x1x512xf32, #tpu.memory_space<vmem>>, vector<16xf32>,
          tpu.vector_store %arg12[%parallel_loop3A_305, %parallel_loop3A_306, %parallel_loop3A_307], %parallel_loop3A_303 {strides = array<i32>} : memref<80x1x512xf32, #tpu.memory_space<vmem>>, vector<16xf32>,
          %parallel_loop3A_309 = arith.mulf %parallel_loop3A_128, %get3A_65 : vector<16xf32>
          %parallel_loop3A_310 = arith.constant 0 : i32
          %parallel_loop3A_311 = arith.index_cast %parallel_loop3A_120 : i32 to index
          %parallel_loop3A_312 = arith.index_cast %parallel_loop3A_310 : i32 to index
          %parallel_loop3A_313 = arith.constant 480 : index
          %parallel_loop3A_314 = tpu.vector_load %arg12[%parallel_loop3A_311, %parallel_loop3A_312, %parallel_loop3A_313] {strides = array<i32>} : memref<80x1x512xf32, #tpu.memory_space<vmem>>, vector<16xf32>,
          tpu.vector_store %arg12[%parallel_loop3A_311, %parallel_loop3A_312, %parallel_loop3A_313], %parallel_loop3A_309 {strides = array<i32>} : memref<80x1x512xf32, #tpu.memory_space<vmem>>, vector<16xf32>,
          %parallel_loop3A_315 = arith.mulf %parallel_loop3A_128, %get3A_67 : vector<16xf32>
          %parallel_loop3A_316 = arith.constant 0 : i32
          %parallel_loop3A_317 = arith.index_cast %parallel_loop3A_120 : i32 to index
          %parallel_loop3A_318 = arith.index_cast %parallel_loop3A_316 : i32 to index
          %parallel_loop3A_319 = arith.constant 496 : index
          %parallel_loop3A_320 = tpu.vector_load %arg12[%parallel_loop3A_317, %parallel_loop3A_318, %parallel_loop3A_319] {strides = array<i32>} : memref<80x1x512xf32, #tpu.memory_space<vmem>>, vector<16xf32>,
          tpu.vector_store %arg12[%parallel_loop3A_317, %parallel_loop3A_318, %parallel_loop3A_319], %parallel_loop3A_315 {strides = array<i32>} : memref<80x1x512xf32, #tpu.memory_space<vmem>>, vector<16xf32>,
        } {sc.loop_unroll_factor = 2 : i64, sc.parallel_access}
        %dma_start3A = arith.constant 0 : i32
        %dma_start3A_115 = arith.constant 0 : i32
        %dma_start3A_116 = tpu.memref_slice %arg6[%add3A_93, %dma_start3A, %dma_start3A_115] : memref<100000x1x512xf32, #tpu.memory_space<hbm>> -> memref<80x1x512xf32, #tpu.memory_space<hbm>>
        %dma_start3A_117 = arith.constant 0 : i32
        %dma_start3A_118 = arith.constant 0 : i32
        %dma_start3A_119 = tpu.memref_slice %arg6[%add3A_93, %dma_start3A_117, %dma_start3A_118] : memref<100000x1x512xf32, #tpu.memory_space<hbm>> -> memref<80x1x512xf32, #tpu.memory_space<hbm>>
        tpu.enqueue_dma source(%arg12 : memref<80x1x512xf32, #tpu.memory_space<vmem>>) target(%dma_start3A_119 : memref<80x1x512xf32, #tpu.memory_space<hbm>>) target_semaphore(%arg14 : memref<!tpu.dma_semaphore, #tpu.memory_space<semaphore_mem>>)
      } else {
      }
      %mul3A_96 = arith.constant 2 : i32
      %mul3A_97 = arith.muli %scan3A_88, %mul3A_96 : i32
      %add3A_98 = arith.constant 1 : i32
      %add3A_99 = arith.addi %mul3A_97, %add3A_98 : i32
      %mul3A_100 = arith.constant 80 : i32
      %mul3A_101 = arith.muli %add3A_99, %mul3A_100 : i32
      %add3A_102 = arith.addi %mul3A_2, %mul3A_101 : i32
      %lt3A_103 = arith.constant 100000 : i32
      %lt3A_104 = arith.cmpi slt, %add3A_102, %lt3A_103 : i32
      %convert_element_type3A_105 = arith.extui %lt3A_104 : i1 to i32
      %cond3A_106 = arith.constant 0 : i32
      %cond3A_107 = arith.cmpi ne, %convert_element_type3A_105, %cond3A_106 : i32
      scf.if %cond3A_107 {
        %ge3A = arith.constant 2 : i32
        %ge3A_108 = arith.cmpi sge, %add3A_99, %ge3A : i32
        %convert_element_type3A_109 = arith.extui %ge3A_108 : i1 to i32
        %cond3A_110 = arith.constant 0 : i32
        %cond3A_111 = arith.cmpi ne, %convert_element_type3A_109, %cond3A_110 : i32
        scf.if %cond3A_111 {
          %dma_wait3A_120 = arith.constant 0 : i32
          %dma_wait3A_121 = arith.constant 0 : i32
          %dma_wait3A_122 = arith.constant 0 : i32
          %dma_wait3A_123 = tpu.memref_slice %arg6[%dma_wait3A_120, %dma_wait3A_121, %dma_wait3A_122] : memref<100000x1x512xf32, #tpu.memory_space<hbm>> -> memref<80x1x512xf32, #tpu.memory_space<hbm>>
          %dma_wait3A_124 = arith.constant 0 : i32
          %dma_wait3A_125 = arith.constant 0 : i32
          %dma_wait3A_126 = arith.constant 0 : i32
          %dma_wait3A_127 = tpu.memref_slice %arg6[%dma_wait3A_124, %dma_wait3A_125, %dma_wait3A_126] : memref<100000x1x512xf32, #tpu.memory_space<hbm>> -> memref<80x1x512xf32, #tpu.memory_space<hbm>>
          tpu.wait_dma2 semaphore(%arg15 : memref<!tpu.dma_semaphore, #tpu.memory_space<semaphore_mem>>) src(%dma_wait3A_127 : memref<80x1x512xf32, #tpu.memory_space<hbm>>) dst(%arg13 : memref<80x1x512xf32, #tpu.memory_space<vmem>>)
        } else {
        }
        %parallel_loop3A_112 = arith.constant 0 : i32
        %parallel_loop3A_113 = arith.constant 80 : i32
        %parallel_loop3A_114 = arith.constant 1 : i32
        scf.for %parallel_loop3A_120 = %parallel_loop3A_112 to %parallel_loop3A_113 step %parallel_loop3A_114  : i32 {
          %parallel_loop3A_121 = arith.constant 80 : i32
          %parallel_loop3A_122 = arith.muli %add3A_99, %parallel_loop3A_121 : i32
          %parallel_loop3A_123 = arith.addi %parallel_loop3A_122, %parallel_loop3A_120 : i32
          %parallel_loop3A_124 = arith.constant 0 : i32
          %parallel_loop3A_125 = vector.broadcast %parallel_loop3A_124 : i32 to vector<16xi32>
          %parallel_loop3A_126 = vector.broadcast %parallel_loop3A_123 : i32 to vector<16xi32>
          %parallel_loop3A_127 = arith.addi %parallel_loop3A_125, %parallel_loop3A_126 : vector<16xi32>
          %parallel_loop3A_128 = tpu.vector_load_idx %arg11[%parallel_loop3A_127] : memref<3200xf32, #tpu.memory_space<vmem>>[vector<16xi32>], vector<16xf32>,
          %parallel_loop3A_129 = arith.mulf %parallel_loop3A_128, %get3A_5 : vector<16xf32>
          %parallel_loop3A_130 = arith.constant 0 : i32
          %parallel_loop3A_131 = arith.index_cast %parallel_loop3A_120 : i32 to index
          %parallel_loop3A_132 = arith.index_cast %parallel_loop3A_130 : i32 to index
          %parallel_loop3A_133 = arith.constant 0 : index
          %parallel_loop3A_134 = tpu.vector_load %arg13[%parallel_loop3A_131, %parallel_loop3A_132, %parallel_loop3A_133] {strides = array<i32>} : memref<80x1x512xf32, #tpu.memory_space<vmem>>, vector<16xf32>,
          tpu.vector_store %arg13[%parallel_loop3A_131, %parallel_loop3A_132, %parallel_loop3A_133], %parallel_loop3A_129 {strides = array<i32>} : memref<80x1x512xf32, #tpu.memory_space<vmem>>, vector<16xf32>,
          %parallel_loop3A_135 = arith.mulf %parallel_loop3A_128, %get3A_7 : vector<16xf32>
          %parallel_loop3A_136 = arith.constant 0 : i32
          %parallel_loop3A_137 = arith.index_cast %parallel_loop3A_120 : i32 to index
          %parallel_loop3A_138 = arith.index_cast %parallel_loop3A_136 : i32 to index
          %parallel_loop3A_139 = arith.constant 16 : index
          %parallel_loop3A_140 = tpu.vector_load %arg13[%parallel_loop3A_137, %parallel_loop3A_138, %parallel_loop3A_139] {strides = array<i32>} : memref<80x1x512xf32, #tpu.memory_space<vmem>>, vector<16xf32>,
          tpu.vector_store %arg13[%parallel_loop3A_137, %parallel_loop3A_138, %parallel_loop3A_139], %parallel_loop3A_135 {strides = array<i32>} : memref<80x1x512xf32, #tpu.memory_space<vmem>>, vector<16xf32>,
          %parallel_loop3A_141 = arith.mulf %parallel_loop3A_128, %get3A_9 : vector<16xf32>
          %parallel_loop3A_142 = arith.constant 0 : i32
          %parallel_loop3A_143 = arith.index_cast %parallel_loop3A_120 : i32 to index
          %parallel_loop3A_144 = arith.index_cast %parallel_loop3A_142 : i32 to index
          %parallel_loop3A_145 = arith.constant 32 : index
          %parallel_loop3A_146 = tpu.vector_load %arg13[%parallel_loop3A_143, %parallel_loop3A_144, %parallel_loop3A_145] {strides = array<i32>} : memref<80x1x512xf32, #tpu.memory_space<vmem>>, vector<16xf32>,
          tpu.vector_store %arg13[%parallel_loop3A_143, %parallel_loop3A_144, %parallel_loop3A_145], %parallel_loop3A_141 {strides = array<i32>} : memref<80x1x512xf32, #tpu.memory_space<vmem>>, vector<16xf32>,
          %parallel_loop3A_147 = arith.mulf %parallel_loop3A_128, %get3A_11 : vector<16xf32>
          %parallel_loop3A_148 = arith.constant 0 : i32
          %parallel_loop3A_149 = arith.index_cast %parallel_loop3A_120 : i32 to index
          %parallel_loop3A_150 = arith.index_cast %parallel_loop3A_148 : i32 to index
          %parallel_loop3A_151 = arith.constant 48 : index
          %parallel_loop3A_152 = tpu.vector_load %arg13[%parallel_loop3A_149, %parallel_loop3A_150, %parallel_loop3A_151] {strides = array<i32>} : memref<80x1x512xf32, #tpu.memory_space<vmem>>, vector<16xf32>,
          tpu.vector_store %arg13[%parallel_loop3A_149, %parallel_loop3A_150, %parallel_loop3A_151], %parallel_loop3A_147 {strides = array<i32>} : memref<80x1x512xf32, #tpu.memory_space<vmem>>, vector<16xf32>,
          %parallel_loop3A_153 = arith.mulf %parallel_loop3A_128, %get3A_13 : vector<16xf32>
          %parallel_loop3A_154 = arith.constant 0 : i32
          %parallel_loop3A_155 = arith.index_cast %parallel_loop3A_120 : i32 to index
          %parallel_loop3A_156 = arith.index_cast %parallel_loop3A_154 : i32 to index
          %parallel_loop3A_157 = arith.constant 64 : index
          %parallel_loop3A_158 = tpu.vector_load %arg13[%parallel_loop3A_155, %parallel_loop3A_156, %parallel_loop3A_157] {strides = array<i32>} : memref<80x1x512xf32, #tpu.memory_space<vmem>>, vector<16xf32>,
          tpu.vector_store %arg13[%parallel_loop3A_155, %parallel_loop3A_156, %parallel_loop3A_157], %parallel_loop3A_153 {strides = array<i32>} : memref<80x1x512xf32, #tpu.memory_space<vmem>>, vector<16xf32>,
          %parallel_loop3A_159 = arith.mulf %parallel_loop3A_128, %get3A_15 : vector<16xf32>
          %parallel_loop3A_160 = arith.constant 0 : i32
          %parallel_loop3A_161 = arith.index_cast %parallel_loop3A_120 : i32 to index
          %parallel_loop3A_162 = arith.index_cast %parallel_loop3A_160 : i32 to index
          %parallel_loop3A_163 = arith.constant 80 : index
          %parallel_loop3A_164 = tpu.vector_load %arg13[%parallel_loop3A_161, %parallel_loop3A_162, %parallel_loop3A_163] {strides = array<i32>} : memref<80x1x512xf32, #tpu.memory_space<vmem>>, vector<16xf32>,
          tpu.vector_store %arg13[%parallel_loop3A_161, %parallel_loop3A_162, %parallel_loop3A_163], %parallel_loop3A_159 {strides = array<i32>} : memref<80x1x512xf32, #tpu.memory_space<vmem>>, vector<16xf32>,
          %parallel_loop3A_165 = arith.mulf %parallel_loop3A_128, %get3A_17 : vector<16xf32>
          %parallel_loop3A_166 = arith.constant 0 : i32
          %parallel_loop3A_167 = arith.index_cast %parallel_loop3A_120 : i32 to index
          %parallel_loop3A_168 = arith.index_cast %parallel_loop3A_166 : i32 to index
          %parallel_loop3A_169 = arith.constant 96 : index
          %parallel_loop3A_170 = tpu.vector_load %arg13[%parallel_loop3A_167, %parallel_loop3A_168, %parallel_loop3A_169] {strides = array<i32>} : memref<80x1x512xf32, #tpu.memory_space<vmem>>, vector<16xf32>,
          tpu.vector_store %arg13[%parallel_loop3A_167, %parallel_loop3A_168, %parallel_loop3A_169], %parallel_loop3A_165 {strides = array<i32>} : memref<80x1x512xf32, #tpu.memory_space<vmem>>, vector<16xf32>,
          %parallel_loop3A_171 = arith.mulf %parallel_loop3A_128, %get3A_19 : vector<16xf32>
          %parallel_loop3A_172 = arith.constant 0 : i32
          %parallel_loop3A_173 = arith.index_cast %parallel_loop3A_120 : i32 to index
          %parallel_loop3A_174 = arith.index_cast %parallel_loop3A_172 : i32 to index
          %parallel_loop3A_175 = arith.constant 112 : index
          %parallel_loop3A_176 = tpu.vector_load %arg13[%parallel_loop3A_173, %parallel_loop3A_174, %parallel_loop3A_175] {strides = array<i32>} : memref<80x1x512xf32, #tpu.memory_space<vmem>>, vector<16xf32>,
          tpu.vector_store %arg13[%parallel_loop3A_173, %parallel_loop3A_174, %parallel_loop3A_175], %parallel_loop3A_171 {strides = array<i32>} : memref<80x1x512xf32, #tpu.memory_space<vmem>>, vector<16xf32>,
          %parallel_loop3A_177 = arith.mulf %parallel_loop3A_128, %get3A_21 : vector<16xf32>
          %parallel_loop3A_178 = arith.constant 0 : i32
          %parallel_loop3A_179 = arith.index_cast %parallel_loop3A_120 : i32 to index
          %parallel_loop3A_180 = arith.index_cast %parallel_loop3A_178 : i32 to index
          %parallel_loop3A_181 = arith.constant 128 : index
          %parallel_loop3A_182 = tpu.vector_load %arg13[%parallel_loop3A_179, %parallel_loop3A_180, %parallel_loop3A_181] {strides = array<i32>} : memref<80x1x512xf32, #tpu.memory_space<vmem>>, vector<16xf32>,
          tpu.vector_store %arg13[%parallel_loop3A_179, %parallel_loop3A_180, %parallel_loop3A_181], %parallel_loop3A_177 {strides = array<i32>} : memref<80x1x512xf32, #tpu.memory_space<vmem>>, vector<16xf32>,
          %parallel_loop3A_183 = arith.mulf %parallel_loop3A_128, %get3A_23 : vector<16xf32>
          %parallel_loop3A_184 = arith.constant 0 : i32
          %parallel_loop3A_185 = arith.index_cast %parallel_loop3A_120 : i32 to index
          %parallel_loop3A_186 = arith.index_cast %parallel_loop3A_184 : i32 to index
          %parallel_loop3A_187 = arith.constant 144 : index
          %parallel_loop3A_188 = tpu.vector_load %arg13[%parallel_loop3A_185, %parallel_loop3A_186, %parallel_loop3A_187] {strides = array<i32>} : memref<80x1x512xf32, #tpu.memory_space<vmem>>, vector<16xf32>,
          tpu.vector_store %arg13[%parallel_loop3A_185, %parallel_loop3A_186, %parallel_loop3A_187], %parallel_loop3A_183 {strides = array<i32>} : memref<80x1x512xf32, #tpu.memory_space<vmem>>, vector<16xf32>,
          %parallel_loop3A_189 = arith.mulf %parallel_loop3A_128, %get3A_25 : vector<16xf32>
          %parallel_loop3A_190 = arith.constant 0 : i32
          %parallel_loop3A_191 = arith.index_cast %parallel_loop3A_120 : i32 to index
          %parallel_loop3A_192 = arith.index_cast %parallel_loop3A_190 : i32 to index
          %parallel_loop3A_193 = arith.constant 160 : index
          %parallel_loop3A_194 = tpu.vector_load %arg13[%parallel_loop3A_191, %parallel_loop3A_192, %parallel_loop3A_193] {strides = array<i32>} : memref<80x1x512xf32, #tpu.memory_space<vmem>>, vector<16xf32>,
          tpu.vector_store %arg13[%parallel_loop3A_191, %parallel_loop3A_192, %parallel_loop3A_193], %parallel_loop3A_189 {strides = array<i32>} : memref<80x1x512xf32, #tpu.memory_space<vmem>>, vector<16xf32>,
          %parallel_loop3A_195 = arith.mulf %parallel_loop3A_128, %get3A_27 : vector<16xf32>
          %parallel_loop3A_196 = arith.constant 0 : i32
          %parallel_loop3A_197 = arith.index_cast %parallel_loop3A_120 : i32 to index
          %parallel_loop3A_198 = arith.index_cast %parallel_loop3A_196 : i32 to index
          %parallel_loop3A_199 = arith.constant 176 : index
          %parallel_loop3A_200 = tpu.vector_load %arg13[%parallel_loop3A_197, %parallel_loop3A_198, %parallel_loop3A_199] {strides = array<i32>} : memref<80x1x512xf32, #tpu.memory_space<vmem>>, vector<16xf32>,
          tpu.vector_store %arg13[%parallel_loop3A_197, %parallel_loop3A_198, %parallel_loop3A_199], %parallel_loop3A_195 {strides = array<i32>} : memref<80x1x512xf32, #tpu.memory_space<vmem>>, vector<16xf32>,
          %parallel_loop3A_201 = arith.mulf %parallel_loop3A_128, %get3A_29 : vector<16xf32>
          %parallel_loop3A_202 = arith.constant 0 : i32
          %parallel_loop3A_203 = arith.index_cast %parallel_loop3A_120 : i32 to index
          %parallel_loop3A_204 = arith.index_cast %parallel_loop3A_202 : i32 to index
          %parallel_loop3A_205 = arith.constant 192 : index
          %parallel_loop3A_206 = tpu.vector_load %arg13[%parallel_loop3A_203, %parallel_loop3A_204, %parallel_loop3A_205] {strides = array<i32>} : memref<80x1x512xf32, #tpu.memory_space<vmem>>, vector<16xf32>,
          tpu.vector_store %arg13[%parallel_loop3A_203, %parallel_loop3A_204, %parallel_loop3A_205], %parallel_loop3A_201 {strides = array<i32>} : memref<80x1x512xf32, #tpu.memory_space<vmem>>, vector<16xf32>,
          %parallel_loop3A_207 = arith.mulf %parallel_loop3A_128, %get3A_31 : vector<16xf32>
          %parallel_loop3A_208 = arith.constant 0 : i32
          %parallel_loop3A_209 = arith.index_cast %parallel_loop3A_120 : i32 to index
          %parallel_loop3A_210 = arith.index_cast %parallel_loop3A_208 : i32 to index
          %parallel_loop3A_211 = arith.constant 208 : index
          %parallel_loop3A_212 = tpu.vector_load %arg13[%parallel_loop3A_209, %parallel_loop3A_210, %parallel_loop3A_211] {strides = array<i32>} : memref<80x1x512xf32, #tpu.memory_space<vmem>>, vector<16xf32>,
          tpu.vector_store %arg13[%parallel_loop3A_209, %parallel_loop3A_210, %parallel_loop3A_211], %parallel_loop3A_207 {strides = array<i32>} : memref<80x1x512xf32, #tpu.memory_space<vmem>>, vector<16xf32>,
          %parallel_loop3A_213 = arith.mulf %parallel_loop3A_128, %get3A_33 : vector<16xf32>
          %parallel_loop3A_214 = arith.constant 0 : i32
          %parallel_loop3A_215 = arith.index_cast %parallel_loop3A_120 : i32 to index
          %parallel_loop3A_216 = arith.index_cast %parallel_loop3A_214 : i32 to index
          %parallel_loop3A_217 = arith.constant 224 : index
          %parallel_loop3A_218 = tpu.vector_load %arg13[%parallel_loop3A_215, %parallel_loop3A_216, %parallel_loop3A_217] {strides = array<i32>} : memref<80x1x512xf32, #tpu.memory_space<vmem>>, vector<16xf32>,
          tpu.vector_store %arg13[%parallel_loop3A_215, %parallel_loop3A_216, %parallel_loop3A_217], %parallel_loop3A_213 {strides = array<i32>} : memref<80x1x512xf32, #tpu.memory_space<vmem>>, vector<16xf32>,
          %parallel_loop3A_219 = arith.mulf %parallel_loop3A_128, %get3A_35 : vector<16xf32>
          %parallel_loop3A_220 = arith.constant 0 : i32
          %parallel_loop3A_221 = arith.index_cast %parallel_loop3A_120 : i32 to index
          %parallel_loop3A_222 = arith.index_cast %parallel_loop3A_220 : i32 to index
          %parallel_loop3A_223 = arith.constant 240 : index
          %parallel_loop3A_224 = tpu.vector_load %arg13[%parallel_loop3A_221, %parallel_loop3A_222, %parallel_loop3A_223] {strides = array<i32>} : memref<80x1x512xf32, #tpu.memory_space<vmem>>, vector<16xf32>,
          tpu.vector_store %arg13[%parallel_loop3A_221, %parallel_loop3A_222, %parallel_loop3A_223], %parallel_loop3A_219 {strides = array<i32>} : memref<80x1x512xf32, #tpu.memory_space<vmem>>, vector<16xf32>,
          %parallel_loop3A_225 = arith.mulf %parallel_loop3A_128, %get3A_37 : vector<16xf32>
          %parallel_loop3A_226 = arith.constant 0 : i32
          %parallel_loop3A_227 = arith.index_cast %parallel_loop3A_120 : i32 to index
          %parallel_loop3A_228 = arith.index_cast %parallel_loop3A_226 : i32 to index
          %parallel_loop3A_229 = arith.constant 256 : index
          %parallel_loop3A_230 = tpu.vector_load %arg13[%parallel_loop3A_227, %parallel_loop3A_228, %parallel_loop3A_229] {strides = array<i32>} : memref<80x1x512xf32, #tpu.memory_space<vmem>>, vector<16xf32>,
          tpu.vector_store %arg13[%parallel_loop3A_227, %parallel_loop3A_228, %parallel_loop3A_229], %parallel_loop3A_225 {strides = array<i32>} : memref<80x1x512xf32, #tpu.memory_space<vmem>>, vector<16xf32>,
          %parallel_loop3A_231 = arith.mulf %parallel_loop3A_128, %get3A_39 : vector<16xf32>
          %parallel_loop3A_232 = arith.constant 0 : i32
          %parallel_loop3A_233 = arith.index_cast %parallel_loop3A_120 : i32 to index
          %parallel_loop3A_234 = arith.index_cast %parallel_loop3A_232 : i32 to index
          %parallel_loop3A_235 = arith.constant 272 : index
          %parallel_loop3A_236 = tpu.vector_load %arg13[%parallel_loop3A_233, %parallel_loop3A_234, %parallel_loop3A_235] {strides = array<i32>} : memref<80x1x512xf32, #tpu.memory_space<vmem>>, vector<16xf32>,
          tpu.vector_store %arg13[%parallel_loop3A_233, %parallel_loop3A_234, %parallel_loop3A_235], %parallel_loop3A_231 {strides = array<i32>} : memref<80x1x512xf32, #tpu.memory_space<vmem>>, vector<16xf32>,
          %parallel_loop3A_237 = arith.mulf %parallel_loop3A_128, %get3A_41 : vector<16xf32>
          %parallel_loop3A_238 = arith.constant 0 : i32
          %parallel_loop3A_239 = arith.index_cast %parallel_loop3A_120 : i32 to index
          %parallel_loop3A_240 = arith.index_cast %parallel_loop3A_238 : i32 to index
          %parallel_loop3A_241 = arith.constant 288 : index
          %parallel_loop3A_242 = tpu.vector_load %arg13[%parallel_loop3A_239, %parallel_loop3A_240, %parallel_loop3A_241] {strides = array<i32>} : memref<80x1x512xf32, #tpu.memory_space<vmem>>, vector<16xf32>,
          tpu.vector_store %arg13[%parallel_loop3A_239, %parallel_loop3A_240, %parallel_loop3A_241], %parallel_loop3A_237 {strides = array<i32>} : memref<80x1x512xf32, #tpu.memory_space<vmem>>, vector<16xf32>,
          %parallel_loop3A_243 = arith.mulf %parallel_loop3A_128, %get3A_43 : vector<16xf32>
          %parallel_loop3A_244 = arith.constant 0 : i32
          %parallel_loop3A_245 = arith.index_cast %parallel_loop3A_120 : i32 to index
          %parallel_loop3A_246 = arith.index_cast %parallel_loop3A_244 : i32 to index
          %parallel_loop3A_247 = arith.constant 304 : index
          %parallel_loop3A_248 = tpu.vector_load %arg13[%parallel_loop3A_245, %parallel_loop3A_246, %parallel_loop3A_247] {strides = array<i32>} : memref<80x1x512xf32, #tpu.memory_space<vmem>>, vector<16xf32>,
          tpu.vector_store %arg13[%parallel_loop3A_245, %parallel_loop3A_246, %parallel_loop3A_247], %parallel_loop3A_243 {strides = array<i32>} : memref<80x1x512xf32, #tpu.memory_space<vmem>>, vector<16xf32>,
          %parallel_loop3A_249 = arith.mulf %parallel_loop3A_128, %get3A_45 : vector<16xf32>
          %parallel_loop3A_250 = arith.constant 0 : i32
          %parallel_loop3A_251 = arith.index_cast %parallel_loop3A_120 : i32 to index
          %parallel_loop3A_252 = arith.index_cast %parallel_loop3A_250 : i32 to index
          %parallel_loop3A_253 = arith.constant 320 : index
          %parallel_loop3A_254 = tpu.vector_load %arg13[%parallel_loop3A_251, %parallel_loop3A_252, %parallel_loop3A_253] {strides = array<i32>} : memref<80x1x512xf32, #tpu.memory_space<vmem>>, vector<16xf32>,
          tpu.vector_store %arg13[%parallel_loop3A_251, %parallel_loop3A_252, %parallel_loop3A_253], %parallel_loop3A_249 {strides = array<i32>} : memref<80x1x512xf32, #tpu.memory_space<vmem>>, vector<16xf32>,
          %parallel_loop3A_255 = arith.mulf %parallel_loop3A_128, %get3A_47 : vector<16xf32>
          %parallel_loop3A_256 = arith.constant 0 : i32
          %parallel_loop3A_257 = arith.index_cast %parallel_loop3A_120 : i32 to index
          %parallel_loop3A_258 = arith.index_cast %parallel_loop3A_256 : i32 to index
          %parallel_loop3A_259 = arith.constant 336 : index
          %parallel_loop3A_260 = tpu.vector_load %arg13[%parallel_loop3A_257, %parallel_loop3A_258, %parallel_loop3A_259] {strides = array<i32>} : memref<80x1x512xf32, #tpu.memory_space<vmem>>, vector<16xf32>,
          tpu.vector_store %arg13[%parallel_loop3A_257, %parallel_loop3A_258, %parallel_loop3A_259], %parallel_loop3A_255 {strides = array<i32>} : memref<80x1x512xf32, #tpu.memory_space<vmem>>, vector<16xf32>,
          %parallel_loop3A_261 = arith.mulf %parallel_loop3A_128, %get3A_49 : vector<16xf32>
          %parallel_loop3A_262 = arith.constant 0 : i32
          %parallel_loop3A_263 = arith.index_cast %parallel_loop3A_120 : i32 to index
          %parallel_loop3A_264 = arith.index_cast %parallel_loop3A_262 : i32 to index
          %parallel_loop3A_265 = arith.constant 352 : index
          %parallel_loop3A_266 = tpu.vector_load %arg13[%parallel_loop3A_263, %parallel_loop3A_264, %parallel_loop3A_265] {strides = array<i32>} : memref<80x1x512xf32, #tpu.memory_space<vmem>>, vector<16xf32>,
          tpu.vector_store %arg13[%parallel_loop3A_263, %parallel_loop3A_264, %parallel_loop3A_265], %parallel_loop3A_261 {strides = array<i32>} : memref<80x1x512xf32, #tpu.memory_space<vmem>>, vector<16xf32>,
          %parallel_loop3A_267 = arith.mulf %parallel_loop3A_128, %get3A_51 : vector<16xf32>
          %parallel_loop3A_268 = arith.constant 0 : i32
          %parallel_loop3A_269 = arith.index_cast %parallel_loop3A_120 : i32 to index
          %parallel_loop3A_270 = arith.index_cast %parallel_loop3A_268 : i32 to index
          %parallel_loop3A_271 = arith.constant 368 : index
          %parallel_loop3A_272 = tpu.vector_load %arg13[%parallel_loop3A_269, %parallel_loop3A_270, %parallel_loop3A_271] {strides = array<i32>} : memref<80x1x512xf32, #tpu.memory_space<vmem>>, vector<16xf32>,
          tpu.vector_store %arg13[%parallel_loop3A_269, %parallel_loop3A_270, %parallel_loop3A_271], %parallel_loop3A_267 {strides = array<i32>} : memref<80x1x512xf32, #tpu.memory_space<vmem>>, vector<16xf32>,
          %parallel_loop3A_273 = arith.mulf %parallel_loop3A_128, %get3A_53 : vector<16xf32>
          %parallel_loop3A_274 = arith.constant 0 : i32
          %parallel_loop3A_275 = arith.index_cast %parallel_loop3A_120 : i32 to index
          %parallel_loop3A_276 = arith.index_cast %parallel_loop3A_274 : i32 to index
          %parallel_loop3A_277 = arith.constant 384 : index
          %parallel_loop3A_278 = tpu.vector_load %arg13[%parallel_loop3A_275, %parallel_loop3A_276, %parallel_loop3A_277] {strides = array<i32>} : memref<80x1x512xf32, #tpu.memory_space<vmem>>, vector<16xf32>,
          tpu.vector_store %arg13[%parallel_loop3A_275, %parallel_loop3A_276, %parallel_loop3A_277], %parallel_loop3A_273 {strides = array<i32>} : memref<80x1x512xf32, #tpu.memory_space<vmem>>, vector<16xf32>,
          %parallel_loop3A_279 = arith.mulf %parallel_loop3A_128, %get3A_55 : vector<16xf32>
          %parallel_loop3A_280 = arith.constant 0 : i32
          %parallel_loop3A_281 = arith.index_cast %parallel_loop3A_120 : i32 to index
          %parallel_loop3A_282 = arith.index_cast %parallel_loop3A_280 : i32 to index
          %parallel_loop3A_283 = arith.constant 400 : index
          %parallel_loop3A_284 = tpu.vector_load %arg13[%parallel_loop3A_281, %parallel_loop3A_282, %parallel_loop3A_283] {strides = array<i32>} : memref<80x1x512xf32, #tpu.memory_space<vmem>>, vector<16xf32>,
          tpu.vector_store %arg13[%parallel_loop3A_281, %parallel_loop3A_282, %parallel_loop3A_283], %parallel_loop3A_279 {strides = array<i32>} : memref<80x1x512xf32, #tpu.memory_space<vmem>>, vector<16xf32>,
          %parallel_loop3A_285 = arith.mulf %parallel_loop3A_128, %get3A_57 : vector<16xf32>
          %parallel_loop3A_286 = arith.constant 0 : i32
          %parallel_loop3A_287 = arith.index_cast %parallel_loop3A_120 : i32 to index
          %parallel_loop3A_288 = arith.index_cast %parallel_loop3A_286 : i32 to index
          %parallel_loop3A_289 = arith.constant 416 : index
          %parallel_loop3A_290 = tpu.vector_load %arg13[%parallel_loop3A_287, %parallel_loop3A_288, %parallel_loop3A_289] {strides = array<i32>} : memref<80x1x512xf32, #tpu.memory_space<vmem>>, vector<16xf32>,
          tpu.vector_store %arg13[%parallel_loop3A_287, %parallel_loop3A_288, %parallel_loop3A_289], %parallel_loop3A_285 {strides = array<i32>} : memref<80x1x512xf32, #tpu.memory_space<vmem>>, vector<16xf32>,
          %parallel_loop3A_291 = arith.mulf %parallel_loop3A_128, %get3A_59 : vector<16xf32>
          %parallel_loop3A_292 = arith.constant 0 : i32
          %parallel_loop3A_293 = arith.index_cast %parallel_loop3A_120 : i32 to index
          %parallel_loop3A_294 = arith.index_cast %parallel_loop3A_292 : i32 to index
          %parallel_loop3A_295 = arith.constant 432 : index
          %parallel_loop3A_296 = tpu.vector_load %arg13[%parallel_loop3A_293, %parallel_loop3A_294, %parallel_loop3A_295] {strides = array<i32>} : memref<80x1x512xf32, #tpu.memory_space<vmem>>, vector<16xf32>,
          tpu.vector_store %arg13[%parallel_loop3A_293, %parallel_loop3A_294, %parallel_loop3A_295], %parallel_loop3A_291 {strides = array<i32>} : memref<80x1x512xf32, #tpu.memory_space<vmem>>, vector<16xf32>,
          %parallel_loop3A_297 = arith.mulf %parallel_loop3A_128, %get3A_61 : vector<16xf32>
          %parallel_loop3A_298 = arith.constant 0 : i32
          %parallel_loop3A_299 = arith.index_cast %parallel_loop3A_120 : i32 to index
          %parallel_loop3A_300 = arith.index_cast %parallel_loop3A_298 : i32 to index
          %parallel_loop3A_301 = arith.constant 448 : index
          %parallel_loop3A_302 = tpu.vector_load %arg13[%parallel_loop3A_299, %parallel_loop3A_300, %parallel_loop3A_301] {strides = array<i32>} : memref<80x1x512xf32, #tpu.memory_space<vmem>>, vector<16xf32>,
          tpu.vector_store %arg13[%parallel_loop3A_299, %parallel_loop3A_300, %parallel_loop3A_301], %parallel_loop3A_297 {strides = array<i32>} : memref<80x1x512xf32, #tpu.memory_space<vmem>>, vector<16xf32>,
          %parallel_loop3A_303 = arith.mulf %parallel_loop3A_128, %get3A_63 : vector<16xf32>
          %parallel_loop3A_304 = arith.constant 0 : i32
          %parallel_loop3A_305 = arith.index_cast %parallel_loop3A_120 : i32 to index
          %parallel_loop3A_306 = arith.index_cast %parallel_loop3A_304 : i32 to index
          %parallel_loop3A_307 = arith.constant 464 : index
          %parallel_loop3A_308 = tpu.vector_load %arg13[%parallel_loop3A_305, %parallel_loop3A_306, %parallel_loop3A_307] {strides = array<i32>} : memref<80x1x512xf32, #tpu.memory_space<vmem>>, vector<16xf32>,
          tpu.vector_store %arg13[%parallel_loop3A_305, %parallel_loop3A_306, %parallel_loop3A_307], %parallel_loop3A_303 {strides = array<i32>} : memref<80x1x512xf32, #tpu.memory_space<vmem>>, vector<16xf32>,
          %parallel_loop3A_309 = arith.mulf %parallel_loop3A_128, %get3A_65 : vector<16xf32>
          %parallel_loop3A_310 = arith.constant 0 : i32
          %parallel_loop3A_311 = arith.index_cast %parallel_loop3A_120 : i32 to index
          %parallel_loop3A_312 = arith.index_cast %parallel_loop3A_310 : i32 to index
          %parallel_loop3A_313 = arith.constant 480 : index
          %parallel_loop3A_314 = tpu.vector_load %arg13[%parallel_loop3A_311, %parallel_loop3A_312, %parallel_loop3A_313] {strides = array<i32>} : memref<80x1x512xf32, #tpu.memory_space<vmem>>, vector<16xf32>,
          tpu.vector_store %arg13[%parallel_loop3A_311, %parallel_loop3A_312, %parallel_loop3A_313], %parallel_loop3A_309 {strides = array<i32>} : memref<80x1x512xf32, #tpu.memory_space<vmem>>, vector<16xf32>,
          %parallel_loop3A_315 = arith.mulf %parallel_loop3A_128, %get3A_67 : vector<16xf32>
          %parallel_loop3A_316 = arith.constant 0 : i32
          %parallel_loop3A_317 = arith.index_cast %parallel_loop3A_120 : i32 to index
          %parallel_loop3A_318 = arith.index_cast %parallel_loop3A_316 : i32 to index
          %parallel_loop3A_319 = arith.constant 496 : index
          %parallel_loop3A_320 = tpu.vector_load %arg13[%parallel_loop3A_317, %parallel_loop3A_318, %parallel_loop3A_319] {strides = array<i32>} : memref<80x1x512xf32, #tpu.memory_space<vmem>>, vector<16xf32>,
          tpu.vector_store %arg13[%parallel_loop3A_317, %parallel_loop3A_318, %parallel_loop3A_319], %parallel_loop3A_315 {strides = array<i32>} : memref<80x1x512xf32, #tpu.memory_space<vmem>>, vector<16xf32>,
        } {sc.loop_unroll_factor = 2 : i64, sc.parallel_access}
        %dma_start3A = arith.constant 0 : i32
        %dma_start3A_115 = arith.constant 0 : i32
        %dma_start3A_116 = tpu.memref_slice %arg6[%add3A_102, %dma_start3A, %dma_start3A_115] : memref<100000x1x512xf32, #tpu.memory_space<hbm>> -> memref<80x1x512xf32, #tpu.memory_space<hbm>>
        %dma_start3A_117 = arith.constant 0 : i32
        %dma_start3A_118 = arith.constant 0 : i32
        %dma_start3A_119 = tpu.memref_slice %arg6[%add3A_102, %dma_start3A_117, %dma_start3A_118] : memref<100000x1x512xf32, #tpu.memory_space<hbm>> -> memref<80x1x512xf32, #tpu.memory_space<hbm>>
        tpu.enqueue_dma source(%arg13 : memref<80x1x512xf32, #tpu.memory_space<vmem>>) target(%dma_start3A_119 : memref<80x1x512xf32, #tpu.memory_space<hbm>>) target_semaphore(%arg15 : memref<!tpu.dma_semaphore, #tpu.memory_space<semaphore_mem>>)
      } else {
      }
    }
    %scan3A_72 = arith.constant 20 : i32
    %dma_wait3A = arith.constant 0 : i32
    %dma_wait3A_73 = arith.constant 0 : i32
    %dma_wait3A_74 = arith.constant 0 : i32
    %dma_wait3A_75 = tpu.memref_slice %arg6[%dma_wait3A, %dma_wait3A_73, %dma_wait3A_74] : memref<100000x1x512xf32, #tpu.memory_space<hbm>> -> memref<80x1x512xf32, #tpu.memory_space<hbm>>
    %dma_wait3A_76 = arith.constant 0 : i32
    %dma_wait3A_77 = arith.constant 0 : i32
    %dma_wait3A_78 = arith.constant 0 : i32
    %dma_wait3A_79 = tpu.memref_slice %arg6[%dma_wait3A_76, %dma_wait3A_77, %dma_wait3A_78] : memref<100000x1x512xf32, #tpu.memory_space<hbm>> -> memref<80x1x512xf32, #tpu.memory_space<hbm>>
    tpu.wait_dma2 semaphore(%arg14 : memref<!tpu.dma_semaphore, #tpu.memory_space<semaphore_mem>>) src(%dma_wait3A_79 : memref<80x1x512xf32, #tpu.memory_space<hbm>>) dst(%arg12 : memref<80x1x512xf32, #tpu.memory_space<vmem>>)
    %dma_wait3A_80 = arith.constant 0 : i32
    %dma_wait3A_81 = arith.constant 0 : i32
    %dma_wait3A_82 = arith.constant 0 : i32
    %dma_wait3A_83 = tpu.memref_slice %arg6[%dma_wait3A_80, %dma_wait3A_81, %dma_wait3A_82] : memref<100000x1x512xf32, #tpu.memory_space<hbm>> -> memref<80x1x512xf32, #tpu.memory_space<hbm>>
    %dma_wait3A_84 = arith.constant 0 : i32
    %dma_wait3A_85 = arith.constant 0 : i32
    %dma_wait3A_86 = arith.constant 0 : i32
    %dma_wait3A_87 = tpu.memref_slice %arg6[%dma_wait3A_84, %dma_wait3A_85, %dma_wait3A_86] : memref<100000x1x512xf32, #tpu.memory_space<hbm>> -> memref<80x1x512xf32, #tpu.memory_space<hbm>>
    tpu.wait_dma2 semaphore(%arg15 : memref<!tpu.dma_semaphore, #tpu.memory_space<semaphore_mem>>) src(%dma_wait3A_87 : memref<80x1x512xf32, #tpu.memory_space<hbm>>) dst(%arg13 : memref<80x1x512xf32, #tpu.memory_space<vmem>>)
    return
  }
}

</mosaic_0001>

<sc_bundles>
// kernel: kernel.3.cloned.1.call-start
scs
__scs_entry_jumppad:
0x0: {  	(pc) =	sbr.rel $0x88, $3  }
0x1: {  	(tag) =	ssettag $0x0;
	lr =	simm.s32 $0x1  }
0x2: {  	[smem:$0x3F9D] =	sst lr;
	_ =	strace $0xD0000000  }
0x3: {  	_ = 	snop  }
0x4: {  	_ = 	snop  }
0x5: {  	_ = 	snop  }
0x6: {  	_ = 	snop  }
0x7: {  	_ = 	snop  }
__scs_overlays_trampoline_lowered:
0x8: {  	[smem:$0x3FAC] =	sst s0  }
0x9: {  	[smem:$0x3FAD] =	sst s1  }
0xa: {  	[smem:$0x3FAE] =	sst s2  }
0xb: {  	[smem:$0x3FAF] =	sst s3  }
0xc: {  	[smem:$0x3FB0] =	sst s4  }
0xd: {  	[smem:$0x3FB1] =	sst s5  }
0xe: {  	[smem:$0x3FB2] =	sst s6  }
0xf: {  	[smem:$0x3FB3] =	sst s7  }
0x10: {  	[smem:$0x3FB4] =	sst s8  }
0x11: {  	[smem:$0x3FB5] =	sst s9;
	s0 =	simm.s32 @!p0 $0x0  }
0x12: {  	s1 =	sld [smem:$0x3F9B];
	s0 =	simm.s32 @p0 $0x1  }
0x13: {  	[smem:$0x3FB6] =	sst s0;
	s0 =	simm.s32 @!p1 $0x0  }
0x14: {  	s2 =	sld [smem:$0x3F9A];
	s0 =	simm.s32 @p1 $0x1  }
0x15: {  	[smem:$0x3FB7] =	sst s0;
	s0 =	simm.s32 @!p2 $0x0  }
0x16: {  	s3 =	sld [smem:$0x3FDB];
	s0 =	simm.s32 @p2 $0x1  }
0x17: {  	s4 =	simm.s32 $0x1BF5;
	[smem:$0x3FB9] =	sst s0  }
0x18: {  	s0 =	sld [smem:$0x3F9C];
	_ =	swait.ge [sflag:s4], $0x0  }
0x19: {  	s7 =	sld [smem:$0x3F9D]  }
0x1a: {  	s8 =	sadd.s32 $0xFFFFE003, lr  }
0x1b: {  	s9 =	sadd.s32 $0xFFFFFEF7, lr;
	s5 =	simm.s32 $0xFFFFFFFF;
	p2 =	slt.u32 s8, $0xFFFFF086  }
0x1c: {  	p1 =	slt.u32 s9, $0xF7A;
	s5 =	simm.s32 @!p2 $0x0  }
0x1d: {  	s5 =	simm.s32 @p1 $0x1;
	p0 =	seq.s32 s7, s2  }
0x1e: {  	s7 =	smul.u32 @!p0 $0xF7A, s2;
	p2 =	seq.s32 @!p0 s5, $0x0  }
0x1f: {  	s9 =	smul.u32 $0xF7A, s1;
	s8 =	simm.s32 @!p0 $0x1BF5;
	p2 =	por !p2, p0  }
0x20: {  	[sflag:s8] =	ssyncset.s32 @!p0 $0xFFFFF086;
	s6 =	sadd.s32 @!p0 s3, s7;
	s7 =	simm.s32 @!p0 $0x108  }
0x21: {  	s3 =	sadd.s32 s3, s9;
	s6 =	sadd.s32 @!p0 $0x88, s6;
	s7 =	simm.s32 @p2 $0x1082  }
0x22: {  	[simem:s7], [sflag:s8] =	dma.local @!p0 [hbm:s6], $0xF7A  }
0x23: {  	s9 =	sor.u32 $0xD0000000, s2;
	s6 =	simm.s32 $0x108;
	_ =	swait.ge @!p0 [sflag:s8], $0x0  }
0x24: {  	s3 =	sadd.s32 $0x88, s3;
	s6 =	simm.s32 @!p1 $0x1082;
	[sflag:s4] =	ssyncset.s32 $0xFFFFF086  }
0x25: {  	[simem:s6], [sflag:s4] =	dma.local [hbm:s3], $0xF7A  }
0x26: {  	[smem:$0x3F9D] =	sst s1;
	(tag) =	ssettag s2;
	_ =	strace s9  }
0x27: {  	s1 =	sld [smem:$0x3FAD]  }
0x28: {  	s2 =	sld [smem:$0x3FAE]  }
0x29: {  	s4 =	sld [smem:$0x3FB0]  }
0x2a: {  	p0 =	seq.s32 s5, $0x0;
	s5 =	sld [smem:$0x3FB1]  }
0x2b: {  	s6 =	sld [smem:$0x3FB2]  }
0x2c: {  	s7 =	sld [smem:$0x3FB3]  }
0x2d: {  	s3 =	simm.s32 $0x108;
	s8 =	sld [smem:$0x3FB4]  }
0x2e: {  	s3 =	simm.s32 @!p0 $0x1082;
	s9 =	sld [smem:$0x3FB5]  }
0x2f: {  	lr =	sadd.s32 s0, s3;
	s0 =	sld [smem:$0x3FAC]  }
0x30: {  	s3 =	sld [smem:$0x3FAF]  }
0x31: {  	[smem:$0x3FB8] =	sst s10  }
0x32: {  	s10 =	sld [smem:$0x3FB6];
	_ =	sdelay $0x3  }
0x33: {  	p0 =	seq.s32 s10, $0x1;
	s10 =	sld [smem:$0x3FB8];
	_ =	sdelay $0x3  }
0x34: {  	[smem:$0x3FB8] =	sst s10  }
0x35: {  	s10 =	sld [smem:$0x3FB7];
	_ =	sdelay $0x3  }
0x36: {  	p1 =	seq.s32 s10, $0x1;
	s10 =	sld [smem:$0x3FB8];
	_ =	sdelay $0x3  }
0x37: {  	[smem:$0x3FB8] =	sst s10  }
0x38: {  	s10 =	sld [smem:$0x3FB9]  }
0x39: {  	_ = 	snop;
	(pc) =	sbr.ind lr, $3  }
0x3a: {  	_ = 	snop  }
0x3b: {  	_ = 	snop  }
0x3c: {  	p2 =	seq.s32 s10, $0x1;
	s10 =	sld [smem:$0x3FB8]  }
0x3d: {  	_ =	shalt  }
0x3e: {  	_ =	shalt  }
0x3f: {  	_ =	shalt  }
0x40: {  	_ =	shalt  }
0x41: {  	_ =	shalt  }
0x42: {  	_ =	shalt  }
0x43: {  	_ =	shalt  }
0x44: {  	_ =	shalt  }
0x45: {  	_ =	shalt  }
0x46: {  	_ =	shalt  }
0x47: {  	_ =	shalt  }
0x48: {  	_ =	shalt  }
0x49: {  	_ =	shalt  }
0x4a: {  	_ =	shalt  }
0x4b: {  	_ =	shalt  }
0x4c: {  	_ =	shalt  }
0x4d: {  	_ =	shalt  }
0x4e: {  	_ =	shalt  }
0x4f: {  	_ =	shalt  }
0x50: {  	_ =	shalt  }
0x51: {  	_ =	shalt  }
0x52: {  	_ =	shalt  }
0x53: {  	_ =	shalt  }
0x54: {  	_ =	shalt  }
0x55: {  	_ =	shalt  }
0x56: {  	_ =	shalt  }
0x57: {  	_ =	shalt  }
0x58: {  	_ =	shalt  }
0x59: {  	_ =	shalt  }
0x5a: {  	_ =	shalt  }
0x5b: {  	_ =	shalt  }
0x5c: {  	_ =	shalt  }
0x5d: {  	_ =	shalt  }
0x5e: {  	_ =	shalt  }
0x5f: {  	_ =	shalt  }
0x60: {  	_ =	shalt  }
0x61: {  	_ =	shalt  }
0x62: {  	_ =	shalt  }
0x63: {  	_ =	shalt  }
0x64: {  	_ =	shalt  }
0x65: {  	_ =	shalt  }
0x66: {  	_ =	shalt  }
0x67: {  	_ =	shalt  }
0x68: {  	_ =	shalt  }
0x69: {  	_ =	shalt  }
0x6a: {  	_ =	shalt  }
0x6b: {  	_ =	shalt  }
0x6c: {  	_ =	shalt  }
0x6d: {  	_ =	shalt  }
0x6e: {  	_ =	shalt  }
0x6f: {  	_ =	shalt  }
0x70: {  	_ =	shalt  }
0x71: {  	_ =	shalt  }
0x72: {  	_ =	shalt  }
0x73: {  	_ =	shalt  }
0x74: {  	_ =	shalt  }
0x75: {  	_ =	shalt  }
0x76: {  	_ =	shalt  }
0x77: {  	_ =	shalt  }
0x78: {  	_ =	shalt  }
0x79: {  	_ =	shalt  }
0x7a: {  	_ =	shalt  }
0x7b: {  	_ =	shalt  }
0x7c: {  	_ =	shalt  }
0x7d: {  	_ =	shalt  }
0x7e: {  	_ =	shalt  }
0x7f: {  	_ =	shalt  }
0x80: {  	_ =	shalt  }
0x81: {  	_ =	shalt  }
0x82: {  	_ =	shalt  }
0x83: {  	_ =	shalt  }
0x84: {  	_ =	shalt  }
0x85: {  	_ =	shalt  }
0x86: {  	_ =	shalt  }
0x87: {  	_ =	shalt  }
.Lfunc_end0:
.L_simem_size_0:
called_computation_lowered:
.L_overlay_start_0:
0x88: {  	s2 =	sld [smem:$0x3FD9]  }
0x89: {  	s3 =	sld [smem:$0x3FFE];
	_ =	sdelay $0x1  }
0x8a: {  	s1 =	srdreg.scid  }
0x8b: {  	s0 =	sand.u32 $0x1, s1  }
0x8c: {  	s17 =	sshll.u32 s0, $0xA;
	s2 =	sadd.s32 s3, s2  }
0x8d: {  	s2 =	sadd.s32 s2, s17  }
0x8e: {  	[smem:$0x3FC4] =	sst s2  }
0x8f: {  	_ = 	snop  }
0x90: {  	s2 =	sld [smem:$0x3FC6]  }
0x91: {  	s18 =	sld [smem:$0x3FD0];
	(tm) =	ssettm $0x1  }
0x92: {  	s4 =	sld [smem:$0x3FFB];
	_ =	sdelay $0x3  }
0x93: {  	_ =	strace s4  }
0x94: {  	s4 =	sld [smem:$0x3FFC];
	_ =	sdelay $0x3  }
0x95: {  	_ =	strace s4  }
0x96: {  	s4 =	sld [smem:$0x3FFD];
	_ =	sdelay $0x3  }
0x97: {  	_ =	strace s4  }
0x98: {  	_ =	strace $0x8FFFFFFF  }
0x99: {  	s19 =	sld [smem:$0x3FDB];
	_ =	sdelay $0x1  }
0x9a: {  	s5 =	simm.s32 $_scs_section_size  }
0x9b: {  	s6 =	simm.s32 $_size__tile_overlayer_lowered;
	s7 =	simm.s32 $_tile_overlayer_lowered  }
0x9c: {  	s22 =	simm.s32 $0x1BFF;
	s21 =	sshll.u32 s7, $0x1;
	s4 =	sadd.s32 s5, s19  }
0x9d: {  	s8 =	simm.s32 $0x0;
	s20 =	sshll.u32 s6, $0x1;
	s6 =	sadd.s32 s21, s4  }
0x9e: {  	[timem:s8], [sflag:s22] =	dma.local [hbm:s6], s20  }
0x9f: {  	_ =	swait.ge [sflag:s22], s20  }
0xa0: {  	s5 =	ssub.s32 $0x0, s20;
	[sflag:s22] =	ssyncset.done $0x0  }
0xa1: {  	[sflag:s22] =	ssyncadd.s32 s5;
	_ =	sdelay $0x1  }
0xa2: {  	s23 =	simm.s32 $0x1B8B  }
0xa3: {  	_ =	swait.ge [sflag:s23], $0x1  }
0xa4: {  	[sflag:s23] =	ssyncset.done $0x0  }
0xa5: {  	s25 =	simm.s32 $0x1B8E;
	s24 =	sld [smem:$0x3FFE];
	[sflag:s23] =	ssyncadd.s32 $0xFFFFFFFF  }
0xa6: {  	s26 =	simm.s32 $execute0_lowered;
	[smem:$0x3FD2] =	sst s25  }
0xa7: {  	s6 =	sshll.u32 s26, $0x1;
	_ =	strace $0x80000046;
	[dreg:$0x1] =	wrdreg $0xFFFFFFFF  }
0xa8: {  	s28 =	simm.s32 $_size_execute0_lowered;
	s4 =	sadd.s32 s4, s6;
	[dreg:$0x0] =	wrdreg $0x0  }
0xa9: {  	s6 =	sshll.u32 s28, $0x1;
	[dreg:$0x2] =	wrdreg s4  }
0xaa: {  	[dreg:$0x3] =	wrdreg s6  }
0xab: {  	[dreg:$0x4] =	wrdreg $0xC0  }
0xac: {  	_ =	task [dreg:s8], $0x5FFFF  }
0xad: {  	[dreg:$0x1] =	wrdreg $0xFFFFFFFF  }
0xae: {  	[dreg:$0x0] =	wrdreg $0x60  }
0xaf: {  	[dreg:$0x2] =	wrdreg s24  }
0xb0: {  	[dreg:$0x3] =	wrdreg s2  }
0xb1: {  	[dreg:$0x4] =	wrdreg s18  }
0xb2: {  	[dreg:$0x5] =	wrdreg $0x9  }
0xb3: {  	_ =	task.clear_ibuf [dreg:s8], $0x6FFFF;
	_ =	strace $0x90000046  }
0xb4: {  	s29 =	simm.s32 $0x9;
	_ =	strace $0x80000048  }
0xb5: {  	_ =	swait.ge [sflag:s29], $0x1  }
0xb6: {  	[sflag:s29] =	ssyncadd.s32 $0xFFFFFFFF  }
0xb7: {  	_ =	strace $0x90000048  }
0xb8: {  	_ =	sfence  }
0xb9: {  	s30 =	sld [smem:$0x0];
	_ =	sdelay $0x2  }
0xba: {  	s31 =	sshll.u32 s1, $0xD;
	s1 =	sshrl.u32 s1, $0x2  }
0xbb: {  	s3 =	sand.u32 $0x4000, s31;
	s1 =	sadd.s32 s1, s30  }
0xbc: {  	s0 =	sor.u32 s3, s0;
	s1 =	sshll.u32 s1, $0x11  }
0xbd: {  	s0 =	sor.u32 s1, s0  }
0xbe: {  	s0 =	sadd.s32 $0x8F2B, s0  }
0xbf: {  	[sflag:s0] =	ssyncadd.remote.s32 $0x1  }
0xc0: {  	_ =	sfence.sel $0xFFFF  }
0xc1: {  	[dreg:$0x0] =	wrdreg $0xFFFFFFFF;
	(pc) =	sbr.abs _section_cstart, $3  }
0xc2: {  	[dreg:$0x1] =	wrdreg $0xFFFFFFFF  }
0xc3: {  	_ =	task.clear_ibuf [dreg:s8], $0x2FFFF;
	_ =	strace $0x9FFFFFFF  }
0xc4: {  	(tm) =	ssettm $0x7FFFFFFF  }
0xc5: {  	_ =	shalt  }
tec
execute0_lowered:
.L_overlay_start_1:
0x0: {  	(tag) =	ssettag $0x1  }
0x1: {  	s1 =	rddreg [dreg:$0x0]  }
0x2: {  	s2 =	srdreg.scid;
	s3 =	rddreg [dreg:$0x1]  }
0x3: {  	s0 =	stileid.u32;
	s4 =	rddreg [dreg:$0x2]  }
0x4: {  	s6 =	simm.s32 $0x0;
	s10 =	simm.s32 $0x3;
	s11 =	simm.s32 $0xC80  }
0x5: {  	s12 =	simm.s32 $0x1900;
	s7 =	sand.u32 $0x1, s2;
	s31 =	sshll.u32 s0, $0x1  }
0x6: {  	s13 =	simm.s32 $0x1980;
	s14 =	simm.s32 $0x1B80;
	s2 =	sor.u32 s7, s31  }
0x7: {  	s15 =	simm.s32 $0x2800;
	s16 =	simm.s32 $0xC800;
	s5 =	smul.u32 $0xC80, s2  }
.Ltmp0:
0x8: {  	s17 =	simm.s32 $0x1;
	s18 =	simm.s32 $0x2;
	(pc) =	sbr.rel .LBB2_1-.Ltmp0, $4  }
0x9: {  	s19 =	simm.s32 $0x0;
	[smem:$0x7FF] =	sst s6;
	s7 =	ssub.s32 $0x2, s7  }
0xa: {  	s2 =	rddreg [dreg:$0x3];
	s9 =	sshrl.u32 s7, $0x1;
	s8 =	sshrl.u32 s5, $0x3  }
0xb: {  	_ =	strace $0x80000047;
	s9 =	ssub.s32 s7, s9;
	s8 =	sadd.s32 s8, s1  }
0xc: {  	s9 =	smax.u32 s9, $0x1;
	s7 =	sadd.s32 $0x3400, s8;
	s8 =	sadd.s32 $0x200, s8  }
.LBB2_13:
0xd: {  	s19 =	sadd.s32 $0x1, s19  }
0xe: {  	_ =	swait.ge [sflag:s17], $0xA000;
	p0 =	sne.s32 s19, s9  }
.Ltmp1:
0xf: {  	[sflag:s17] =	ssyncset.done $0x0;
	(pc) =	sbr.rel @!p0 .LBB2_14-.Ltmp1, $4  }
0x10: {  	[sflag:s17] =	ssyncadd.s32 $0xFFFF6000  }
0x11: {  	_ =	swait.ge [sflag:s18], $0xA000  }
0x12: {  	[sflag:s18] =	ssyncset.done $0x0  }
0x13: {  	[sflag:s18] =	ssyncadd.s32 $0xFFFF6000  }
.LBB2_1:
0x14: {  	[tilespmem:s6], [sflag:$0x3] =	stream.linear.gather [hbm4b:s7+s6], $0xC80, $0x38;
	[tilespmem:$0x16800] =	vst v63  }
0x15: {  	_ =	swait.ge [sflag:s10], $0xC80  }
0x16: {  	[sflag:s10] =	ssyncset.done $0x0  }
0x17: {  	[sflag:s10] =	ssyncadd.s32 $0xFFFFF380  }
0x18: {  	[tilespmem:s11], [sflag:$0x3] =	stream.linear.gather [hbm4b:s8+s6], $0xC80, $0x38;
	[tilespmem:$0x16800] =	vst v63  }
0x19: {  	_ =	swait.ge [sflag:s10], $0xC80  }
0x1a: {  	[sflag:s10] =	ssyncset.done $0x0  }
0x1b: {  	[sflag:s10] =	ssyncadd.s32 $0xFFFFF380  }
0x1c: {  	[tilespmem:s12], [sflag:$0x3] =	stream.linear.gather [hbm4b:s1+s6], $0x80, $0x38;
	[tilespmem:$0x16800] =	vst v63  }
0x1d: {  	_ =	swait.ge [sflag:s10], $0x80  }
0x1e: {  	[sflag:s10] =	ssyncset.done $0x0  }
0x1f: {  	[sflag:s10] =	ssyncadd.s32 $0xFFFFFF80  }
0x20: {  	[tilespmem:s13], [sflag:$0x3] =	stream.linear.gather [hbm4b:s3+s6], $0x200, $0x38;
	[tilespmem:$0x16800] =	vst v63  }
0x21: {  	_ =	swait.ge [sflag:s10], $0x200  }
0x22: {  	[sflag:s10] =	ssyncset.done $0x0  }
0x23: {  	s20 =	simm.s32 $0x0;
	[sflag:s10] =	ssyncadd.s32 $0xFFFFFE00  }
0x24: {  	v1 =	vld [tilespmem:s20+$0x0];
	_ =	sdelay $0x6  }
0x25: {  	v0 =	vld [tilespmem:s20+$0xC80]  }
0x26: {  	s21 =	simm.s32 $0x10;
	s22 =	simm.s32 $0x80;
	v1 =	vld.idx.msk [tilespmem:v1+s12+$0x0], $0xffff  }
.LBB2_2:
0x27: {  	p0 =	sne.s32 s22, $0x31C0;
	v2 =	vld [tilespmem:s21+$0x0];
	_ =	sdelay $0x3  }
.Ltmp2:
0x28: {  	(pc) =	sbr.rel @p0 .LBB2_2-.Ltmp2, $3  }
0x29: {  	v1 =	vmul.f32 v0, v1;
	_ =	sdelay $0x1  }
0x2a: {  	v0 =	vld [tilespmem:s21+$0xC80];
	[tilespmem:s20+$0x1B80] =	vst v1;
	s20 =	smov.u32 s21  }
0x2b: {  	s21 =	sshra.s32 s22, $0x2;
	s22 =	sadd.s32 $0x40, s22;
	v1 =	vld.idx.msk [tilespmem:v2+s12+$0x0], $0xffff  }
0x2c: {  	v2 =	vld [tilespmem:s21+$0x0];
	_ =	sdelay $0x6  }
0x2d: {  	v3 =	vld [tilespmem:s21+$0xC80]  }
0x2e: {  	v2 =	vld.idx.msk [tilespmem:v2+s12+$0x0], $0xffff;
	_ =	sdelay $0x3  }
0x2f: {  	v0 =	vmul.f32 v0, v1  }
0x30: {  	v57 =	vmul.f32 v3, v2  }
0x31: {  	[tilespmem:s20+$0x1B80] =	vst v0  }
0x32: {  	[tilespmem:s21+$0x1B80] =	vst v57  }
0x33: {  	v0 =	vld [tilespmem:$0x1980]  }
0x34: {  	v58 =	vld [tilespmem:$0x1990]  }
0x35: {  	v59 =	vld [tilespmem:$0x19A0]  }
0x36: {  	v60 =	vld [tilespmem:$0x19B0]  }
0x37: {  	v61 =	vld [tilespmem:$0x19C0]  }
0x38: {  	v13 =	vld [tilespmem:$0x19D0]  }
0x39: {  	v62 =	vld [tilespmem:$0x19E0]  }
0x3a: {  	v15 =	vld [tilespmem:$0x19F0]  }
0x3b: {  	v63 =	vld [tilespmem:$0x1A00]  }
0x3c: {  	v17 =	vld [tilespmem:$0x1A10]  }
0x3d: {  	v18 =	vld [tilespmem:$0x1A20]  }
0x3e: {  	v19 =	vld [tilespmem:$0x1A30]  }
0x3f: {  	v21 =	vld [tilespmem:$0x1A40]  }
0x40: {  	v20 =	vld [tilespmem:$0x1A50]  }
0x41: {  	v22 =	vld [tilespmem:$0x1A60]  }
0x42: {  	v23 =	vld [tilespmem:$0x1A70]  }
0x43: {  	v24 =	vld [tilespmem:$0x1A80]  }
0x44: {  	v25 =	vld [tilespmem:$0x1A90];
	[tilespmem:$0x1FF10] =	vst v0  }
0x45: {  	v26 =	vld [tilespmem:$0x1AA0];
	[tilespmem:$0x1FF20] =	vst v58  }
0x46: {  	v35 =	vld [tilespmem:$0x1B70];
	[tilespmem:$0x1FF30] =	vst v59  }
0x47: {  	v37 =	vld [tilespmem:$0x1B30];
	[tilespmem:$0x1FF40] =	vst v60  }
0x48: {  	v39 =	vld [tilespmem:$0x1B40];
	[tilespmem:$0x1FF50] =	vst v61  }
0x49: {  	v55 =	vld [tilespmem:$0x1B20];
	[tilespmem:$0x1FF60] =	vst v62  }
0x4a: {  	v45 =	vld [tilespmem:$0x1B00];
	[tilespmem:$0x1FF70] =	vst v63  }
0x4b: {  	v46 =	vld [tilespmem:$0x1B10];
	[tilespmem:$0x1FF80] =	vst v35  }
0x4c: {  	v59 =	vld [tilespmem:$0x1B60];
	[tilespmem:$0x1FF90] =	vst v37  }
0x4d: {  	v58 =	vld [tilespmem:$0x1B50];
	[tilespmem:$0x1FFA0] =	vst v39  }
.Ltmp3:
0x4e: {  	v27 =	vld [tilespmem:$0x1AB0];
	[tilespmem:$0x1FFB0] =	vst v55;
	(pc) =	sbr.rel .LBB2_4-.Ltmp3, $4  }
0x4f: {  	v28 =	vld [tilespmem:$0x1AC0];
	[tilespmem:$0x1FFC0] =	vst v45  }
0x50: {  	v29 =	vld [tilespmem:$0x1AD0];
	[tilespmem:$0x1FFD0] =	vst v46  }
0x51: {  	v30 =	vld [tilespmem:$0x1AE0];
	[tilespmem:$0x1FFE0] =	vst v59  }
0x52: {  	s20 =	simm.s32 $0x0;
	s21 =	simm.s32 $0x0;
	v31 =	vld [tilespmem:$0x1AF0];
	[tilespmem:$0x1FFF0] =	vst v58  }
.LBB2_12:
0x53: {  	s21 =	sadd.s32 $0x1, s21  }
0x54: {  	p0 =	sne.s32 s21, $0x14  }
.Ltmp4:
0x55: {  	_ = 	snop;
	(pc) =	sbr.rel @!p0 .LBB2_13-.Ltmp4, $2  }
0x56: {  	_ =	sdelay $0x2  }
0x57: {  	s20 =	sadd.s32 $0xA0, s20  }
.LBB2_4:
0x58: {  	s22 =	smul.u32 $0xA0, s21;
	_ =	sdelay $0x1  }
0x59: {  	s22 =	sadd.s32 s5, s22  }
0x5a: {  	p1 =	sgt.u32 s22, $0x1869F  }
.Ltmp5:
0x5b: {  	_ = 	snop;
	(pc) =	sbr.rel @p1 .LBB2_8-.Ltmp5, $2  }
0x5c: {  	_ =	sdelay $0x2  }
0x5d: {  	p0 =	seq.s32 s21, $0x0  }
0x5e: {  	s24 =	sadd.s32 $0xFFFFFFFE, s20  }
0x5f: {  	s23 =	sadd.s32 $0x2, s24  }
0x60: {  	v32 =	vmov s23  }
0x61: {  	v32 =	vand.u32 $0xFFFFFFFE, v32  }
0x62: {  	v32 =	vbroadcast v32, $0x0;
	_ =	sdelay $0x1  }
0x63: {  	s23 =	simm.s32 @!p0 $0x1  }
0x64: {  	_ =	swait.ge @!p0 [sflag:s23], $0xA000  }
0x65: {  	[sflag:s23] =	ssyncset.done @!p0 $0x0  }
0x66: {  	[sflag:s23] =	ssyncadd.s32 @!p0 $0xFFFF6000  }
0x67: {  	v32 =	vld.idx.msk [tilespmem:v32+s14+$0x0], $0xffff  }
0x68: {  	v1 =	vld [tilespmem:$0x1FF10]  }
0x69: {  	v2 =	vld [tilespmem:$0x1FF20];
	_ =	sdelay $0x2  }
0x6a: {  	v33 =	vmul.f32 v32, v35  }
0x6b: {  	s23 =	simm.s32 $0x2A00;
	v34 =	vmul.f32 v32, v1  }
0x6c: {  	v54 =	vmul.f32 v32, v2;
	[tilespmem:s23+$0xFFFFFFF0] =	vst v33  }
0x6d: {  	v3 =	vld [tilespmem:$0x1FF30];
	[tilespmem:s23+$0xFFFFFE00] =	vst v34  }
0x6e: {  	v4 =	vld [tilespmem:$0x1FF40];
	[tilespmem:s23+$0xFFFFFE10] =	vst v54  }
0x6f: {  	v5 =	vld [tilespmem:$0x1FF50];
	_ =	sdelay $0x2  }
0x70: {  	v56 =	vmul.f32 v32, v3  }
0x71: {  	v57 =	vmul.f32 v32, v4  }
0x72: {  	v60 =	vmul.f32 v32, v5;
	[tilespmem:s23+$0xFFFFFE20] =	vst v56  }
0x73: {  	v61 =	vmul.f32 v32, v13;
	[tilespmem:s23+$0xFFFFFE30] =	vst v57  }
0x74: {  	v63 =	vmul.f32 v32, v15;
	v6 =	vld [tilespmem:$0x1FF60];
	[tilespmem:s23+$0xFFFFFE40] =	vst v60  }
0x75: {  	v9 =	vmul.f32 v32, v17;
	[tilespmem:s23+$0xFFFFFE50] =	vst v61  }
0x76: {  	v10 =	vmul.f32 v32, v18;
	v7 =	vld [tilespmem:$0x1FF70];
	[tilespmem:s23+$0xFFFFFE70] =	vst v63  }
0x77: {  	v11 =	vmul.f32 v32, v19;
	[tilespmem:s23+$0xFFFFFE90] =	vst v9  }
0x78: {  	v36 =	vmul.f32 v32, v21;
	[tilespmem:s23+$0xFFFFFEA0] =	vst v10  }
0x79: {  	v38 =	vmul.f32 v32, v20;
	[tilespmem:s23+$0xFFFFFEB0] =	vst v11  }
0x7a: {  	v40 =	vmul.f32 v32, v22;
	[tilespmem:s23+$0xFFFFFEC0] =	vst v36  }
0x7b: {  	v41 =	vmul.f32 v32, v23;
	[tilespmem:s23+$0xFFFFFED0] =	vst v38  }
0x7c: {  	v42 =	vmul.f32 v32, v24;
	[tilespmem:s23+$0xFFFFFEE0] =	vst v40  }
0x7d: {  	v43 =	vmul.f32 v32, v25;
	[tilespmem:s23+$0xFFFFFEF0] =	vst v41  }
0x7e: {  	s24 =	sadd.s32 $0x3, s24;
	v44 =	vmul.f32 v32, v26;
	[tilespmem:s23+$0xFFFFFF00] =	vst v42  }
0x7f: {  	v49 =	vmov s24;
	v47 =	vmul.f32 v32, v27;
	[tilespmem:s23+$0xFFFFFF10] =	vst v43  }
0x80: {  	v48 =	vmul.f32 v32, v28;
	[tilespmem:s23+$0xFFFFFF20] =	vst v44  }
0x81: {  	v50 =	vmul.f32 v32, v30;
	[tilespmem:s23+$0xFFFFFF30] =	vst v47  }
0x82: {  	v51 =	vmul.f32 v32, v31;
	[tilespmem:s23+$0xFFFFFF40] =	vst v48  }
0x83: {  	v52 =	vmul.f32 v32, v45;
	[tilespmem:s23+$0xFFFFFF60] =	vst v50  }
0x84: {  	v53 =	vmul.f32 v32, v46;
	v33 =	vld.idx.msk [tilespmem:v49+s14+$0x0], $0xffff;
	[tilespmem:s23+$0xFFFFFF70] =	vst v51  }
0x85: {  	v54 =	vmul.f32 v32, v55;
	[tilespmem:s23+$0xFFFFFF80] =	vst v52  }
0x86: {  	v56 =	vmul.f32 v32, v37;
	[tilespmem:s23+$0xFFFFFF90] =	vst v53  }
0x87: {  	v57 =	vmul.f32 v32, v39;
	[tilespmem:s23+$0xFFFFFFA0] =	vst v54  }
0x88: {  	v60 =	vmul.f32 v32, v58;
	[tilespmem:s23+$0xFFFFFFB0] =	vst v56  }
0x89: {  	v61 =	vmul.f32 v33, v1;
	[tilespmem:s23+$0xFFFFFFC0] =	vst v57  }
0x8a: {  	v36 =	vmul.f32 v32, v29;
	[tilespmem:s23+$0xFFFFFFD0] =	vst v60  }
0x8b: {  	v63 =	vmul.f32 v33, v3;
	[tilespmem:s23+$0x0] =	vst v61  }
0x8c: {  	v9 =	vmul.f32 v33, v5;
	[tilespmem:s23+$0xFFFFFF50] =	vst v36  }
0x8d: {  	v49 =	vmul.f32 v33, v46;
	v38 =	vmul.f32 v33, v13;
	[tilespmem:s23+$0x20] =	vst v63  }
0x8e: {  	v55 =	vmul.f32 v33, v55;
	v40 =	vmul.f32 v33, v17;
	[tilespmem:s23+$0x40] =	vst v9  }
0x8f: {  	v41 =	vmul.f32 v33, v19;
	v57 =	vmul.f32 v33, v20;
	[tilespmem:s23+$0x50] =	vst v38  }
0x90: {  	v56 =	vmul.f32 v33, v22;
	v50 =	vmul.f32 v33, v23;
	[tilespmem:s23+$0x90] =	vst v40  }
0x91: {  	v51 =	vmul.f32 v33, v24;
	v60 =	vmul.f32 v33, v15;
	[tilespmem:s23+$0xB0] =	vst v41  }
0x92: {  	v42 =	vmul.f32 v33, v25;
	v63 =	vmul.f32 v33, v21;
	[tilespmem:s23+$0xD0] =	vst v57  }
0x93: {  	v47 =	vmul.f32 v33, v26;
	[tilespmem:s23+$0x70] =	vst v60;
	v62 =	vmul.f32 v32, v6  }
0x94: {  	v43 =	vmul.f32 v33, v27;
	v10 =	vmul.f32 v33, v6;
	[tilespmem:s23+$0xC0] =	vst v63  }
0x95: {  	v52 =	vmul.f32 v33, v28;
	v8 =	vmul.f32 v32, v7;
	[tilespmem:s23+$0xFFFFFE60] =	vst v62  }
0x96: {  	v44 =	vmul.f32 v33, v29;
	v32 =	vmul.f32 v32, v59;
	[tilespmem:s23+$0x60] =	vst v10  }
0x97: {  	v53 =	vmul.f32 v33, v30;
	v61 =	vmul.f32 v33, v7;
	[tilespmem:s23+$0xFFFFFE80] =	vst v8  }
0x98: {  	v48 =	vmul.f32 v33, v31;
	v62 =	vmul.f32 v33, v2;
	[tilespmem:s23+$0xFFFFFFE0] =	vst v32  }
0x99: {  	v1 =	vmov v37;
	v54 =	vmul.f32 v33, v45;
	v8 =	vmul.f32 v33, v4;
	[tilespmem:s23+$0x80] =	vst v61  }
0x9a: {  	v0 =	vmovc v35;
	v11 =	vmov v39;
	v45 =	vmul.f32 v33, v1;
	[tilespmem:s23+$0x10] =	vst v62;
	v62 =	vmul.f32 v33, v18  }
0x9b: {  	v39 =	vmul.f32 v33, v0;
	v46 =	vmul.f32 v33, v11;
	[tilespmem:s23+$0x30] =	vst v8  }
0x9c: {  	s24 =	simm.s32 $0x0;
	v40 =	vmul.f32 v33, v58;
	v41 =	vmul.f32 v33, v59;
	[tilespmem:s23+$0xA0] =	vst v62  }
.LBB2_6:
0x9d: {  	s25 =	sadd.s32 s24, s20;
	[tilespmem:s23+$0xE0] =	vst v56  }
0x9e: {  	s26 =	sadd.s32 $0x2, s25;
	s25 =	sadd.s32 $0x3, s25;
	[tilespmem:s23+$0xF0] =	vst v50  }
0x9f: {  	[tilespmem:s23+$0x100] =	vst v51;
	v33 =	vmov s25  }
0xa0: {  	[tilespmem:s23+$0x110] =	vst v42  }
0xa1: {  	[tilespmem:s23+$0x120] =	vst v47  }
0xa2: {  	[tilespmem:s23+$0x130] =	vst v43;
	v32 =	vmov s26  }
0xa3: {  	[tilespmem:s23+$0x140] =	vst v52;
	v32 =	vand.u32 $0xFFFFFFFE, v32  }
0xa4: {  	v34 =	vbroadcast v32, $0x0;
	v32 =	vld.idx.msk [tilespmem:v33+s14+$0x0], $0xffff;
	[tilespmem:s23+$0x150] =	vst v44  }
0xa5: {  	[tilespmem:s23+$0x160] =	vst v53  }
0xa6: {  	[tilespmem:s23+$0x170] =	vst v48  }
0xa7: {  	[tilespmem:s23+$0x180] =	vst v54  }
0xa8: {  	v0 =	vld [tilespmem:$0x1FF10];
	[tilespmem:s23+$0x190] =	vst v49  }
0xa9: {  	v1 =	vld [tilespmem:$0x1FF20];
	[tilespmem:s23+$0x1A0] =	vst v55  }
0xaa: {  	v2 =	vld [tilespmem:$0x1FF30];
	[tilespmem:s23+$0x1B0] =	vst v45  }
0xab: {  	v3 =	vld [tilespmem:$0x1FF40];
	[tilespmem:s23+$0x1C0] =	vst v46  }
0xac: {  	v4 =	vld [tilespmem:$0x1FF50];
	[tilespmem:s23+$0x1D0] =	vst v40  }
0xad: {  	v8 =	vld [tilespmem:$0x1FF80];
	[tilespmem:s23+$0x1E0] =	vst v41;
	v36 =	vmul.f32 v32, v0  }
0xae: {  	[tilespmem:s23+$0x1F0] =	vst v39;
	s23 =	sadd.s32 $0x400, s23;
	v42 =	vld.idx.msk [tilespmem:v34+s14+$0x0], $0xffff;
	v33 =	vmul.f32 v32, v1  }
0xaf: {  	v37 =	vmul.f32 v32, v2;
	[tilespmem:s23+$0x0] =	vst v36  }
0xb0: {  	v34 =	vmul.f32 v32, v3;
	[tilespmem:s23+$0x10] =	vst v33  }
0xb1: {  	v38 =	vmul.f32 v32, v4;
	[tilespmem:s23+$0x20] =	vst v37  }
0xb2: {  	v35 =	vmul.f32 v32, v13;
	[tilespmem:s23+$0x30] =	vst v34  }
0xb3: {  	[tilespmem:s23+$0x40] =	vst v38;
	v54 =	vmul.f32 v42, v8  }
0xb4: {  	[tilespmem:s23+$0x50] =	vst v35;
	v53 =	vmul.f32 v42, v0  }
0xb5: {  	v55 =	vmul.f32 v42, v1;
	[tilespmem:s23+$0xFFFFFFF0] =	vst v54  }
0xb6: {  	v56 =	vmul.f32 v42, v2;
	[tilespmem:s23+$0xFFFFFE00] =	vst v53  }
0xb7: {  	v57 =	vmul.f32 v42, v3;
	[tilespmem:s23+$0xFFFFFE10] =	vst v55  }
0xb8: {  	v58 =	vmul.f32 v42, v4;
	[tilespmem:s23+$0xFFFFFE20] =	vst v56  }
0xb9: {  	v59 =	vmul.f32 v42, v13;
	[tilespmem:s23+$0xFFFFFE30] =	vst v57  }
0xba: {  	v61 =	vmul.f32 v42, v15;
	[tilespmem:s23+$0xFFFFFE40] =	vst v58  }
0xbb: {  	v63 =	vmul.f32 v42, v17;
	[tilespmem:s23+$0xFFFFFE50] =	vst v59  }
0xbc: {  	v1 =	vmul.f32 v42, v18;
	[tilespmem:s23+$0xFFFFFE70] =	vst v61  }
0xbd: {  	v3 =	vmul.f32 v42, v19;
	[tilespmem:s23+$0xFFFFFE90] =	vst v63  }
0xbe: {  	v4 =	vmul.f32 v42, v21;
	[tilespmem:s23+$0xFFFFFEA0] =	vst v1  }
0xbf: {  	v5 =	vmul.f32 v42, v20;
	[tilespmem:s23+$0xFFFFFEB0] =	vst v3  }
0xc0: {  	v6 =	vmul.f32 v42, v22;
	[tilespmem:s23+$0xFFFFFEC0] =	vst v4  }
0xc1: {  	v7 =	vmul.f32 v42, v23;
	[tilespmem:s23+$0xFFFFFED0] =	vst v5  }
0xc2: {  	v50 =	vmul.f32 v42, v24;
	[tilespmem:s23+$0xFFFFFEE0] =	vst v6  }
0xc3: {  	v43 =	vmul.f32 v42, v25;
	[tilespmem:s23+$0xFFFFFEF0] =	vst v7  }
0xc4: {  	v51 =	vmul.f32 v42, v26;
	[tilespmem:s23+$0xFFFFFF00] =	vst v50  }
0xc5: {  	v11 =	vld [tilespmem:$0x1FFC0];
	v41 =	vmul.f32 v42, v27;
	[tilespmem:s23+$0xFFFFFF10] =	vst v43  }
0xc6: {  	v12 =	vld [tilespmem:$0x1FFD0];
	v52 =	vmul.f32 v42, v28;
	[tilespmem:s23+$0xFFFFFF20] =	vst v51  }
0xc7: {  	v10 =	vld [tilespmem:$0x1FFB0];
	v46 =	vmul.f32 v42, v29;
	[tilespmem:s23+$0xFFFFFF30] =	vst v41  }
0xc8: {  	v9 =	vld [tilespmem:$0x1FFA0];
	v54 =	vmul.f32 v42, v30;
	[tilespmem:s23+$0xFFFFFF40] =	vst v52  }
0xc9: {  	v14 =	vld [tilespmem:$0x1FFE0];
	v55 =	vmul.f32 v42, v31;
	[tilespmem:s23+$0xFFFFFF50] =	vst v46  }
0xca: {  	v57 =	vmul.f32 v42, v11;
	[tilespmem:s23+$0xFFFFFF60] =	vst v54  }
0xcb: {  	v58 =	vmul.f32 v42, v12;
	[tilespmem:s23+$0xFFFFFF70] =	vst v55  }
0xcc: {  	v39 =	vld [tilespmem:$0x1FF90];
	v59 =	vmul.f32 v42, v10;
	[tilespmem:s23+$0xFFFFFF80] =	vst v57  }
0xcd: {  	v16 =	vld [tilespmem:$0x1FFF0];
	v47 =	vmul.f32 v32, v26;
	v61 =	vmul.f32 v42, v9;
	[tilespmem:s23+$0xFFFFFF90] =	vst v58  }
0xce: {  	v44 =	vmul.f32 v32, v29;
	v63 =	vmul.f32 v42, v14;
	[tilespmem:s23+$0xFFFFFFA0] =	vst v59  }
0xcf: {  	v48 =	vmul.f32 v32, v31;
	v1 =	vmul.f32 v32, v15;
	[tilespmem:s23+$0xFFFFFFC0] =	vst v61  }
0xd0: {  	v49 =	vmul.f32 v32, v12;
	v0 =	vld [tilespmem:$0x1FF60];
	v3 =	vmul.f32 v32, v17;
	[tilespmem:s23+$0xFFFFFFE0] =	vst v63  }
0xd1: {  	v45 =	vmul.f32 v32, v39;
	v2 =	vld [tilespmem:$0x1FF70];
	v4 =	vmul.f32 v32, v18;
	[tilespmem:s23+$0x70] =	vst v1  }
0xd2: {  	v40 =	vmul.f32 v32, v16;
	v5 =	vmul.f32 v32, v19;
	[tilespmem:s23+$0x90] =	vst v3  }
0xd3: {  	v6 =	vmul.f32 v32, v21;
	v7 =	vmul.f32 v32, v20;
	[tilespmem:s23+$0xA0] =	vst v4  }
0xd4: {  	v56 =	vmul.f32 v32, v22;
	v50 =	vmul.f32 v32, v23;
	[tilespmem:s23+$0xB0] =	vst v5  }
0xd5: {  	v51 =	vmul.f32 v32, v24;
	[tilespmem:s23+$0xC0] =	vst v6;
	v60 =	vmul.f32 v42, v0  }
0xd6: {  	s24 =	sadd.s32 $0x2, s24;
	v43 =	vmul.f32 v32, v27;
	[tilespmem:s23+$0xD0] =	vst v7;
	v62 =	vmul.f32 v42, v2  }
0xd7: {  	p1 =	slt.u32 s24, $0x4E;
	v52 =	vmul.f32 v32, v28;
	v0 =	vmul.f32 v32, v0;
	[tilespmem:s23+$0xFFFFFE60] =	vst v60  }
.Ltmp6:
0xd8: {  	v53 =	vmul.f32 v32, v30;
	v2 =	vmul.f32 v32, v2;
	[tilespmem:s23+$0xFFFFFE80] =	vst v62;
	(pc) =	sbr.rel @p1 .LBB2_6-.Ltmp6, $4  }
0xd9: {  	v46 =	vmul.f32 v32, v9;
	v60 =	vmul.f32 v42, v39;
	[tilespmem:s23+$0x60] =	vst v0  }
0xda: {  	v41 =	vmul.f32 v32, v14;
	v62 =	vmul.f32 v42, v16;
	[tilespmem:s23+$0x80] =	vst v2  }
0xdb: {  	v54 =	vmul.f32 v32, v11;
	v55 =	vmul.f32 v32, v10;
	[tilespmem:s23+$0xFFFFFFB0] =	vst v60  }
0xdc: {  	v42 =	vmul.f32 v32, v25;
	v39 =	vmul.f32 v32, v8;
	[tilespmem:s23+$0xFFFFFFD0] =	vst v62  }
0xdd: {  	[tilespmem:s23+$0xE0] =	vst v56  }
0xde: {  	[tilespmem:s23+$0xF0] =	vst v50  }
0xdf: {  	[tilespmem:s23+$0x100] =	vst v51  }
0xe0: {  	[tilespmem:s23+$0x120] =	vst v47  }
0xe1: {  	[tilespmem:s23+$0x130] =	vst v43  }
0xe2: {  	[tilespmem:s23+$0x140] =	vst v52  }
0xe3: {  	[tilespmem:s23+$0x150] =	vst v44  }
0xe4: {  	[tilespmem:s23+$0x160] =	vst v53  }
0xe5: {  	[tilespmem:s23+$0x170] =	vst v48  }
0xe6: {  	[tilespmem:s23+$0x180] =	vst v54  }
0xe7: {  	[tilespmem:s23+$0x190] =	vst v49  }
0xe8: {  	[tilespmem:s23+$0x1A0] =	vst v55  }
0xe9: {  	[tilespmem:s23+$0x1B0] =	vst v45  }
0xea: {  	[tilespmem:s23+$0x1C0] =	vst v46  }
0xeb: {  	[tilespmem:s23+$0x1D0] =	vst v40  }
0xec: {  	[tilespmem:s23+$0x1E0] =	vst v41  }
0xed: {  	[tilespmem:s23+$0x110] =	vst v42  }
0xee: {  	[tilespmem:s23+$0x1F0] =	vst v39  }
0xef: {  	v45 =	vld [tilespmem:$0x1FFC0]  }
0xf0: {  	v46 =	vld [tilespmem:$0x1FFD0]  }
0xf1: {  	v55 =	vld [tilespmem:$0x1FFB0]  }
0xf2: {  	v37 =	vld [tilespmem:$0x1FF90]  }
0xf3: {  	v39 =	vld [tilespmem:$0x1FFA0]  }
0xf4: {  	s24 =	sshll.u32 s22, $0x6;
	v58 =	vld [tilespmem:$0x1FFF0]  }
0xf5: {  	s31 =	sadd.s32 s4, s24;
	v59 =	vld [tilespmem:$0x1FFE0]  }
0xf6: {  	[hbm4b:s31+s6] =	stream.linear.scatter [tilespmem:s15], [sflag:$0x1], $0xA000, $0x38;
	v35 =	vld [tilespmem:$0x1FF80]  }
.LBB2_8:
0xf7: {  	s22 =	sadd.s32 $0x50, s22  }
0xf8: {  	p1 =	sgt.u32 s22, $0x1869F  }
.Ltmp7:
0xf9: {  	_ = 	snop;
	(pc) =	sbr.rel @p1 .LBB2_12-.Ltmp7, $1  }
0xfa: {  	_ =	sdelay $0x3  }
0xfb: {  	s24 =	sadd.s32 $0xFFFFFFFE, s20  }
0xfc: {  	s23 =	sadd.s32 $0x52, s24  }
0xfd: {  	v0 =	vmov s23  }
0xfe: {  	v0 =	vand.u32 $0xFFFFFFFE, v0  }
0xff: {  	v0 =	vbroadcast v0, $0x0;
	_ =	sdelay $0x1  }
0x100: {  	s23 =	simm.s32 @!p0 $0x2  }
0x101: {  	_ =	swait.ge @!p0 [sflag:s23], $0xA000  }
0x102: {  	[sflag:s23] =	ssyncset.done @!p0 $0x0  }
0x103: {  	[sflag:s23] =	ssyncadd.s32 @!p0 $0xFFFF6000  }
0x104: {  	v0 =	vld.idx.msk [tilespmem:v0+s14+$0x0], $0xffff  }
0x105: {  	v5 =	vld [tilespmem:$0x1FF10]  }
0x106: {  	v6 =	vld [tilespmem:$0x1FF20];
	_ =	sdelay $0x2  }
0x107: {  	v1 =	vmul.f32 v0, v35  }
0x108: {  	s23 =	simm.s32 $0xCA00;
	v2 =	vmul.f32 v0, v5  }
0x109: {  	v3 =	vmul.f32 v0, v6;
	[tilespmem:s23+$0xFFFFFFF0] =	vst v1  }
0x10a: {  	v7 =	vld [tilespmem:$0x1FF30];
	[tilespmem:s23+$0xFFFFFE00] =	vst v2  }
0x10b: {  	v8 =	vld [tilespmem:$0x1FF40];
	[tilespmem:s23+$0xFFFFFE10] =	vst v3  }
0x10c: {  	v9 =	vld [tilespmem:$0x1FF50];
	_ =	sdelay $0x2  }
0x10d: {  	v32 =	vmul.f32 v0, v7  }
0x10e: {  	v33 =	vmul.f32 v0, v8  }
0x10f: {  	v34 =	vmul.f32 v0, v9;
	[tilespmem:s23+$0xFFFFFE20] =	vst v32  }
0x110: {  	v36 =	vmul.f32 v0, v13;
	[tilespmem:s23+$0xFFFFFE30] =	vst v33  }
0x111: {  	v40 =	vmul.f32 v0, v15;
	v10 =	vld [tilespmem:$0x1FF60];
	[tilespmem:s23+$0xFFFFFE40] =	vst v34  }
0x112: {  	v42 =	vmul.f32 v0, v17;
	[tilespmem:s23+$0xFFFFFE50] =	vst v36  }
0x113: {  	v43 =	vmul.f32 v0, v18;
	v11 =	vld [tilespmem:$0x1FF70];
	[tilespmem:s23+$0xFFFFFE70] =	vst v40  }
0x114: {  	v44 =	vmul.f32 v0, v19;
	[tilespmem:s23+$0xFFFFFE90] =	vst v42  }
0x115: {  	v47 =	vmul.f32 v0, v21;
	[tilespmem:s23+$0xFFFFFEA0] =	vst v43  }
0x116: {  	v48 =	vmul.f32 v0, v20;
	[tilespmem:s23+$0xFFFFFEB0] =	vst v44  }
0x117: {  	v49 =	vmul.f32 v0, v22;
	[tilespmem:s23+$0xFFFFFEC0] =	vst v47  }
0x118: {  	v50 =	vmul.f32 v0, v23;
	[tilespmem:s23+$0xFFFFFED0] =	vst v48  }
0x119: {  	v51 =	vmul.f32 v0, v24;
	[tilespmem:s23+$0xFFFFFEE0] =	vst v49  }
0x11a: {  	v52 =	vmul.f32 v0, v25;
	[tilespmem:s23+$0xFFFFFEF0] =	vst v50  }
0x11b: {  	v53 =	vmul.f32 v0, v26;
	[tilespmem:s23+$0xFFFFFF00] =	vst v51  }
0x11c: {  	s24 =	sadd.s32 $0x53, s24;
	v54 =	vmul.f32 v0, v27;
	[tilespmem:s23+$0xFFFFFF10] =	vst v52  }
0x11d: {  	v57 =	vmov s24;
	v56 =	vmul.f32 v0, v28;
	[tilespmem:s23+$0xFFFFFF20] =	vst v53  }
0x11e: {  	v4 =	vmul.f32 v0, v29;
	[tilespmem:s23+$0xFFFFFF30] =	vst v54  }
0x11f: {  	v60 =	vmul.f32 v0, v30;
	[tilespmem:s23+$0xFFFFFF40] =	vst v56  }
0x120: {  	v61 =	vmul.f32 v0, v31;
	[tilespmem:s23+$0xFFFFFF50] =	vst v4  }
0x121: {  	v62 =	vmul.f32 v0, v45;
	[tilespmem:s23+$0xFFFFFF60] =	vst v60  }
0x122: {  	v63 =	vmul.f32 v0, v46;
	v1 =	vld.idx.msk [tilespmem:v57+s14+$0x0], $0xffff;
	[tilespmem:s23+$0xFFFFFF70] =	vst v61  }
0x123: {  	v32 =	vmul.f32 v0, v55;
	[tilespmem:s23+$0xFFFFFF80] =	vst v62  }
0x124: {  	v33 =	vmul.f32 v0, v37;
	[tilespmem:s23+$0xFFFFFF90] =	vst v63  }
0x125: {  	v34 =	vmul.f32 v0, v39;
	[tilespmem:s23+$0xFFFFFFA0] =	vst v32  }
0x126: {  	v36 =	vmul.f32 v0, v58;
	[tilespmem:s23+$0xFFFFFFB0] =	vst v33  }
0x127: {  	v40 =	vmul.f32 v1, v6;
	[tilespmem:s23+$0xFFFFFFC0] =	vst v34  }
0x128: {  	v42 =	vmul.f32 v1, v8;
	[tilespmem:s23+$0xFFFFFFD0] =	vst v36  }
0x129: {  	v43 =	vmul.f32 v1, v9;
	[tilespmem:s23+$0x10] =	vst v40  }
0x12a: {  	v55 =	vmul.f32 v1, v55;
	v44 =	vmul.f32 v1, v13;
	[tilespmem:s23+$0x30] =	vst v42  }
0x12b: {  	v60 =	vmul.f32 v1, v15;
	v32 =	vmul.f32 v1, v17;
	[tilespmem:s23+$0x40] =	vst v43  }
0x12c: {  	v62 =	vmul.f32 v1, v18;
	v33 =	vmul.f32 v1, v19;
	[tilespmem:s23+$0x50] =	vst v44  }
0x12d: {  	v63 =	vmul.f32 v1, v21;
	v56 =	vmul.f32 v1, v22;
	[tilespmem:s23+$0x70] =	vst v60  }
0x12e: {  	v50 =	vmul.f32 v1, v23;
	v51 =	vmul.f32 v1, v24;
	[tilespmem:s23+$0x90] =	vst v32  }
0x12f: {  	v52 =	vmul.f32 v1, v28;
	v53 =	vmul.f32 v1, v30;
	[tilespmem:s23+$0xA0] =	vst v62  }
0x130: {  	v48 =	vmul.f32 v1, v31;
	v34 =	vmul.f32 v1, v20;
	[tilespmem:s23+$0xB0] =	vst v33  }
0x131: {  	v54 =	vmul.f32 v1, v45;
	[tilespmem:s23+$0xC0] =	vst v63;
	v38 =	vmul.f32 v0, v10  }
0x132: {  	v49 =	vmul.f32 v1, v46;
	[tilespmem:s23+$0xD0] =	vst v34;
	v47 =	vmul.f32 v1, v10  }
0x133: {  	v45 =	vmul.f32 v1, v37;
	v41 =	vmul.f32 v0, v11;
	[tilespmem:s23+$0xFFFFFE60] =	vst v38  }
0x134: {  	v12 =	vmov v46;
	v46 =	vmul.f32 v1, v39;
	v0 =	vmul.f32 v0, v59;
	[tilespmem:s23+$0x60] =	vst v47  }
0x135: {  	v42 =	vmul.f32 v1, v25;
	v61 =	vmul.f32 v1, v11;
	[tilespmem:s23+$0xFFFFFE80] =	vst v41  }
0x136: {  	v43 =	vmul.f32 v1, v27;
	v38 =	vmul.f32 v1, v5;
	[tilespmem:s23+$0xFFFFFFE0] =	vst v0  }
0x137: {  	v44 =	vmul.f32 v1, v29;
	v41 =	vmul.f32 v1, v7;
	[tilespmem:s23+$0x80] =	vst v61  }
0x138: {  	v40 =	vmul.f32 v1, v58;
	v33 =	vmov v39;
	v39 =	vmul.f32 v1, v35;
	[tilespmem:s23+$0x0] =	vst v38  }
0x139: {  	v14 =	vmovc v58;
	v16 =	vmov v59;
	s24 =	simm.s32 $0x0;
	v47 =	vmul.f32 v1, v26;
	[tilespmem:s23+$0x20] =	vst v41;
	v41 =	vmul.f32 v1, v59  }
.LBB2_10:
0x13a: {  	s25 =	sadd.s32 s24, s20;
	[tilespmem:s23+$0xE0] =	vst v56  }
0x13b: {  	s26 =	sadd.s32 $0x52, s25;
	s25 =	sadd.s32 $0x53, s25;
	[tilespmem:s23+$0xF0] =	vst v50  }
0x13c: {  	[tilespmem:s23+$0x100] =	vst v51;
	v1 =	vmov s25  }
0x13d: {  	[tilespmem:s23+$0x110] =	vst v42  }
0x13e: {  	[tilespmem:s23+$0x120] =	vst v47  }
0x13f: {  	[tilespmem:s23+$0x130] =	vst v43  }
0x140: {  	[tilespmem:s23+$0x140] =	vst v52  }
0x141: {  	v32 =	vld.idx.msk [tilespmem:v1+s14+$0x0], $0xffff;
	[tilespmem:s23+$0x150] =	vst v44  }
0x142: {  	[tilespmem:s23+$0x160] =	vst v53  }
0x143: {  	v0 =	vmov s26;
	[tilespmem:s23+$0x170] =	vst v48  }
0x144: {  	v0 =	vand.u32 $0xFFFFFFFE, v0;
	[tilespmem:s23+$0x180] =	vst v54  }
0x145: {  	v3 =	vld [tilespmem:$0x1FF20];
	v0 =	vbroadcast v0, $0x0;
	[tilespmem:s23+$0x190] =	vst v49  }
0x146: {  	v5 =	vld [tilespmem:$0x1FF40];
	[tilespmem:s23+$0x1A0] =	vst v55  }
0x147: {  	v53 =	vld [tilespmem:$0x1FF10];
	[tilespmem:s23+$0x1B0] =	vst v45  }
0x148: {  	v4 =	vld [tilespmem:$0x1FF30];
	[tilespmem:s23+$0x1C0] =	vst v46  }
0x149: {  	v6 =	vld [tilespmem:$0x1FF50];
	[tilespmem:s23+$0x1D0] =	vst v40  }
0x14a: {  	v10 =	vld [tilespmem:$0x1FF80];
	[tilespmem:s23+$0x1E0] =	vst v41;
	v2 =	vmul.f32 v32, v3  }
0x14b: {  	[tilespmem:s23+$0x1F0] =	vst v39;
	v0 =	vld.idx.msk [tilespmem:v0+s14+$0x0], $0xffff;
	v54 =	vmul.f32 v32, v5  }
0x14c: {  	v36 =	vmul.f32 v32, v53;
	[tilespmem:$0x1FEF0] =	vst v2  }
0x14d: {  	s23 =	sadd.s32 $0x400, s23;
	v37 =	vmul.f32 v32, v4;
	[tilespmem:$0x1FF00] =	vst v54  }
0x14e: {  	v38 =	vmul.f32 v32, v6;
	[tilespmem:s23+$0x0] =	vst v36  }
0x14f: {  	v35 =	vmul.f32 v32, v13;
	[tilespmem:s23+$0x20] =	vst v37  }
0x150: {  	[tilespmem:s23+$0x40] =	vst v38;
	v55 =	vmul.f32 v0, v10  }
0x151: {  	[tilespmem:s23+$0x50] =	vst v35;
	v1 =	vmul.f32 v0, v53  }
0x152: {  	v8 =	vld [tilespmem:$0x1FF60];
	v3 =	vmul.f32 v0, v3;
	[tilespmem:s23+$0xFFFFFFF0] =	vst v55  }
0x153: {  	v4 =	vmul.f32 v0, v4;
	[tilespmem:s23+$0xFFFFFE00] =	vst v1  }
0x154: {  	v9 =	vld [tilespmem:$0x1FF70];
	v5 =	vmul.f32 v0, v5;
	[tilespmem:s23+$0xFFFFFE10] =	vst v3  }
0x155: {  	v6 =	vmul.f32 v0, v6;
	[tilespmem:s23+$0xFFFFFE20] =	vst v4  }
0x156: {  	v56 =	vmul.f32 v0, v13;
	[tilespmem:s23+$0xFFFFFE30] =	vst v5  }
0x157: {  	v57 =	vmul.f32 v0, v8;
	[tilespmem:s23+$0xFFFFFE40] =	vst v6  }
0x158: {  	v58 =	vmul.f32 v0, v15;
	[tilespmem:s23+$0xFFFFFE50] =	vst v56  }
0x159: {  	v7 =	vmul.f32 v0, v9;
	[tilespmem:s23+$0xFFFFFE60] =	vst v57  }
0x15a: {  	v59 =	vmul.f32 v0, v17;
	[tilespmem:s23+$0xFFFFFE70] =	vst v58  }
0x15b: {  	v60 =	vmul.f32 v0, v18;
	[tilespmem:s23+$0xFFFFFE80] =	vst v7  }
0x15c: {  	v61 =	vmul.f32 v0, v19;
	[tilespmem:s23+$0xFFFFFE90] =	vst v59  }
0x15d: {  	v62 =	vmul.f32 v0, v21;
	[tilespmem:s23+$0xFFFFFEA0] =	vst v60  }
0x15e: {  	v63 =	vmul.f32 v0, v20;
	[tilespmem:s23+$0xFFFFFEB0] =	vst v61  }
0x15f: {  	v41 =	vmul.f32 v0, v22;
	[tilespmem:s23+$0xFFFFFEC0] =	vst v62  }
0x160: {  	v49 =	vld [tilespmem:$0x1FFC0];
	v34 =	vmul.f32 v0, v24;
	[tilespmem:s23+$0xFFFFFED0] =	vst v63  }
0x161: {  	v2 =	vmul.f32 v0, v25;
	[tilespmem:s23+$0xFFFFFEE0] =	vst v41  }
0x162: {  	v43 =	vmul.f32 v0, v26;
	[tilespmem:s23+$0xFFFFFF00] =	vst v34  }
0x163: {  	v44 =	vmul.f32 v0, v28;
	[tilespmem:s23+$0xFFFFFF10] =	vst v2  }
0x164: {  	v45 =	vmul.f32 v0, v30;
	[tilespmem:s23+$0xFFFFFF20] =	vst v43  }
0x165: {  	v46 =	vmul.f32 v0, v49;
	[tilespmem:s23+$0xFFFFFF40] =	vst v44  }
0x166: {  	v11 =	vld [tilespmem:$0x1FF90];
	v39 =	vmul.f32 v0, v12;
	[tilespmem:s23+$0xFFFFFF60] =	vst v45  }
0x167: {  	v1 =	vmul.f32 v0, v23;
	[tilespmem:s23+$0xFFFFFF80] =	vst v46  }
0x168: {  	v3 =	vmul.f32 v0, v27;
	[tilespmem:s23+$0xFFFFFF90] =	vst v39  }
0x169: {  	v7 =	vmul.f32 v0, v29;
	[tilespmem:s23+$0xFFFFFEF0] =	vst v1  }
0x16a: {  	v4 =	vmul.f32 v0, v31;
	[tilespmem:s23+$0xFFFFFF30] =	vst v3  }
0x16b: {  	v5 =	vmul.f32 v0, v11;
	[tilespmem:s23+$0xFFFFFF50] =	vst v7  }
0x16c: {  	v58 =	vmul.f32 v0, v33;
	[tilespmem:s23+$0xFFFFFF70] =	vst v4  }
0x16d: {  	v59 =	vmul.f32 v0, v14;
	[tilespmem:s23+$0xFFFFFFB0] =	vst v5  }
0x16e: {  	v50 =	vmul.f32 v32, v23;
	v6 =	vmul.f32 v32, v8;
	[tilespmem:s23+$0xFFFFFFC0] =	vst v58  }
0x16f: {  	v51 =	vmul.f32 v32, v24;
	v60 =	vmul.f32 v32, v15;
	[tilespmem:s23+$0xFFFFFFD0] =	vst v59  }
0x170: {  	v42 =	vmul.f32 v32, v25;
	v61 =	vmul.f32 v32, v9;
	[tilespmem:s23+$0x60] =	vst v6  }
0x171: {  	v47 =	vmul.f32 v32, v26;
	v55 =	vld [tilespmem:$0x1FFB0];
	v62 =	vmul.f32 v32, v17;
	[tilespmem:s23+$0x70] =	vst v60  }
0x172: {  	v52 =	vmul.f32 v32, v28;
	v63 =	vmul.f32 v32, v19;
	[tilespmem:s23+$0x80] =	vst v61  }
0x173: {  	v48 =	vmul.f32 v32, v31;
	v8 =	vmul.f32 v32, v21;
	[tilespmem:s23+$0x90] =	vst v62  }
0x174: {  	v40 =	vmul.f32 v32, v14;
	v34 =	vmul.f32 v32, v20;
	[tilespmem:s23+$0xB0] =	vst v63  }
0x175: {  	s24 =	sadd.s32 $0x2, s24;
	v54 =	vmul.f32 v32, v49;
	v1 =	vmul.f32 v32, v18;
	v58 =	vld [tilespmem:$0x1FEF0];
	[tilespmem:s23+$0xC0] =	vst v8  }
0x176: {  	p0 =	slt.u32 s24, $0x4E;
	v53 =	vmul.f32 v32, v30;
	v59 =	vld [tilespmem:$0x1FF00];
	[tilespmem:s23+$0xD0] =	vst v34;
	v57 =	vmul.f32 v0, v55  }
.Ltmp8:
0x177: {  	v49 =	vmul.f32 v32, v12;
	[tilespmem:s23+$0xA0] =	vst v1;
	v0 =	vmul.f32 v0, v16;
	(pc) =	sbr.rel @p0 .LBB2_10-.Ltmp8, $4  }
0x178: {  	v56 =	vmul.f32 v32, v22;
	v43 =	vmul.f32 v32, v27;
	[tilespmem:s23+$0xFFFFFFA0] =	vst v57  }
0x179: {  	v44 =	vmul.f32 v32, v29;
	v45 =	vmul.f32 v32, v11;
	[tilespmem:s23+$0xFFFFFFE0] =	vst v0  }
0x17a: {  	v46 =	vmul.f32 v32, v33;
	v41 =	vmul.f32 v32, v16;
	[tilespmem:s23+$0x10] =	vst v58  }
0x17b: {  	v39 =	vmul.f32 v32, v10;
	v55 =	vmul.f32 v32, v55;
	[tilespmem:s23+$0x30] =	vst v59  }
0x17c: {  	[tilespmem:s23+$0xE0] =	vst v56  }
0x17d: {  	[tilespmem:s23+$0xF0] =	vst v50  }
0x17e: {  	[tilespmem:s23+$0x100] =	vst v51  }
0x17f: {  	[tilespmem:s23+$0x110] =	vst v42  }
0x180: {  	[tilespmem:s23+$0x120] =	vst v47  }
0x181: {  	[tilespmem:s23+$0x130] =	vst v43  }
0x182: {  	[tilespmem:s23+$0x140] =	vst v52  }
0x183: {  	[tilespmem:s23+$0x150] =	vst v44  }
0x184: {  	[tilespmem:s23+$0x160] =	vst v53  }
0x185: {  	[tilespmem:s23+$0x170] =	vst v48  }
0x186: {  	[tilespmem:s23+$0x180] =	vst v54  }
0x187: {  	[tilespmem:s23+$0x190] =	vst v49  }
0x188: {  	[tilespmem:s23+$0x1B0] =	vst v45  }
0x189: {  	[tilespmem:s23+$0x1C0] =	vst v46  }
0x18a: {  	[tilespmem:s23+$0x1D0] =	vst v40  }
0x18b: {  	[tilespmem:s23+$0x1E0] =	vst v41  }
0x18c: {  	[tilespmem:s23+$0x1A0] =	vst v55  }
.Ltmp9:
0x18d: {  	[tilespmem:s23+$0x1F0] =	vst v39;
	(pc) =	sbr.rel .LBB2_12-.Ltmp9, $4  }
0x18e: {  	v45 =	vld [tilespmem:$0x1FFC0]  }
0x18f: {  	s22 =	sshll.u32 s22, $0x6;
	v55 =	vld [tilespmem:$0x1FFB0]  }
0x190: {  	s22 =	sadd.s32 s4, s22;
	v37 =	vld [tilespmem:$0x1FF90]  }
0x191: {  	v46 =	vmovc v12;
	v58 =	vmov v14;
	v59 =	vmov v16;
	v39 =	vmov v33;
	[hbm4b:s22+s6] =	stream.linear.scatter [tilespmem:s16], [sflag:$0x2], $0xA000, $0x38;
	v35 =	vld [tilespmem:$0x1FF80]  }
.LBB2_14:
0x192: {  	_ =	sfence.sel $0x180000  }
0x193: {  	[bflag:$0x0] =	sbarrier.arrive $0xFFFF  }
0x194: {  	p0 =	sne.s32 s0, $0x0;
	_ =	strace $0x90000047  }
0x195: {  	s0 =	sadd.s32 @!p0 $0x100000, s2;
	[bflag:$0x2] =	sbarrier.arrive $0xFFFF  }
0x196: {  	[sflag:s0] =	ssyncadd.tile.s32 @!p0 $0x1;
	_ =	shalt  }
.Lfunc_end2:
_tile_overlayer_lowered:
.L_overlay_start_2:
0x197: {  	(tag) =	ssettag $0x2  }
0x198: {  	s0 =	rddreg [dreg:$0x0];
	s2 =	stileid.u32  }
0x199: {  	s1 =	rddreg [dreg:$0x1];
	p0 =	sne.s32 s2, $0x0  }
0x19a: {  	s3 =	rddreg [dreg:$0x2];
	[bflag:$0x3] =	sbarrier.arrive $0xFFFF;
	s2 =	simm.s32 @!p0 $0x1C03  }
0x19b: {  	[timem:s3], [sflag:s2] =	dma.local @!p0 [hbm:s0], s1  }
0x19c: {  	s0 =	simm.s32 @!p0 $0x3  }
0x19d: {  	_ =	swait.ge @!p0 [sflag:s0], s1  }
0x19e: {  	s1 =	ssub.s32 @!p0 $0x0, s1;
	[sflag:s0] =	ssyncset.done @!p0 $0x0  }
0x19f: {  	[sflag:s0] =	ssyncadd.s32 @!p0 s1  }
0x1a0: {  	[bflag:$0x3] =	sbarrier.arrive $0xFFFF  }
0x1a1: {  	_ =	shalt  }

</sc_bundles>
